<compile_context>
chip_gen: v7x
topology: tpu7x:2x2x1
jax: 0.10.2.dev20260603
libtpu: 0.0.44.dev20260713+nightly
codegen_flags: <defaults>
</compile_context>

<pallas_src>
import functools
import jax
import jax.numpy as jnp
from jax import lax
from jax.experimental import pallas as pl
from jax.experimental.pallas import tpu as pltpu
from jax.experimental.pallas import tpu_sc as plsc

_N = 1000
_ROWS = 16384
_L = 16
_NW = 32
_BRK = 128
_NEG = -1e7

_SC_ROWS = 8192
_TC_ROWS = _ROWS - _SC_ROWS
_BR = 256


def _insert5(t, v):
    t1, t2, t3, t4, t5 = t
    m = jnp.maximum(t1, v); v = jnp.minimum(t1, v); t1 = m
    m = jnp.maximum(t2, v); v = jnp.minimum(t2, v); t2 = m
    m = jnp.maximum(t3, v); v = jnp.minimum(t3, v); t3 = m
    m = jnp.maximum(t4, v); v = jnp.minimum(t4, v); t4 = m
    t5 = jnp.maximum(t5, v)
    return (t1, t2, t3, t4, t5)


def _make_sc_kernel(nrows):
    rpw = nrows // _NW
    nbk = rpw // _BRK
    assert nbk * _BRK * _NW == nrows
    mesh = plsc.VectorSubcoreMesh(core_axis_name="c", subcore_axis_name="s")

    @functools.partial(
        pl.kernel,
        mesh=mesh,
        out_type=jax.ShapeDtypeStruct((nrows,), jnp.float32),
        scratch_types=[
            pltpu.VMEM((_N, _BRK), jnp.float32),
            pltpu.VMEM((rpw,), jnp.int32),
            pltpu.VMEM((rpw,), jnp.float32),
        ],
        compiler_params=pltpu.CompilerParams(use_tc_tiling_on_sc=True,
                                             needs_layout_passes=False,
                                             disable_bounds_checks=True,
                                             disable_semaphore_checks=True,
                                             skip_device_barrier=True),
    )
    def _sc_kernel(logits_t_hbm, labels_hbm, out_hbm, buf, labs_v, out_v):
        wid = lax.axis_index("s") * 2 + lax.axis_index("c")
        base = wid * rpw
        pltpu.sync_copy(labels_hbm.at[pl.ds(base, rpw)], labs_v)

        lane = lax.broadcasted_iota(jnp.int32, (_L,), 0)
        ninf = jnp.full((_L,), -jnp.inf, jnp.float32)

        def block_body(b, carry):
            pltpu.sync_copy(
                logits_t_hbm.at[:, pl.ds(base + b * _BRK, _BRK)], buf)

            for g in range(_BRK // _L):
                off = b * _BRK + g * _L
                labs = labs_v[pl.ds(off, _L)]
                col = lane + g * _L
                true_v = plsc.load_gather(buf, [labs, col])
                plsc.store_scatter(buf, [labs, col],
                                   jnp.full((_L,), _NEG, jnp.float32))

                @plsc.parallel_loop(0, _N, step=1, unroll=2,
                                    carry=(ninf,) * 5)
                def cls_loop(c, t):
                    return _insert5(t, buf[c, pl.ds(g * _L, _L)])

                t1, t2, t3, t4, t5 = cls_loop
                base_m = true_v + 1.0
                loss = jnp.maximum(base_m - t1, 0.0)
                loss = loss + jnp.maximum(base_m - t2, 0.0)
                loss = loss + jnp.maximum(base_m - t3, 0.0)
                loss = loss + jnp.maximum(base_m - t4, 0.0)
                loss = loss + jnp.maximum(base_m - t5, 0.0)
                out_v[pl.ds(off, _L)] = loss
            return carry

        lax.fori_loop(0, nbk, block_body, 0)
        pltpu.sync_copy(out_v, out_hbm.at[pl.ds(base, rpw)])

    return _sc_kernel


def _tc_body(lab_ref, x_ref, out_ref):
    x = x_ref[...]
    lab = lab_ref[...][0]
    iota = lax.broadcasted_iota(jnp.int32, (_N, _BR), 0)
    onehot = iota == lab
    true1 = jnp.sum(jnp.where(onehot, x, 0.0), axis=0, keepdims=True)
    m = jnp.where(onehot, _NEG, x)
    loss = jnp.zeros((1, _BR), jnp.float32)
    for _ in range(5):
        w = jnp.max(m, axis=0, keepdims=True)
        loss = loss + jnp.maximum(true1 - w + 1.0, 0.0)
        idx = jnp.min(jnp.where(m == w, iota, _N), axis=0, keepdims=True)
        m = jnp.where(iota == idx, -jnp.inf, m)
    out_ref[...] = loss[jnp.newaxis]


_SC_KERNEL = _make_sc_kernel(_SC_ROWS)

_COL0 = _SC_ROWS // _BR


def _tc_part(logits_t, lab3):
    return pl.pallas_call(
        _tc_body,
        grid=(_TC_ROWS // _BR,),
        in_specs=[
            pl.BlockSpec((1, 1, _BR), lambda i: (i + _COL0, 0, 0)),
            pl.BlockSpec((_N, _BR), lambda i: (0, i + _COL0)),
        ],
        out_specs=pl.BlockSpec((1, 1, _BR), lambda i: (i, 0, 0)),
        out_shape=jax.ShapeDtypeStruct((_TC_ROWS // _BR, 1, _BR),
                                       jnp.float32),
    )(lab3, logits_t)


def kernel(logits, labels):
    lab32 = labels.astype(jnp.int32)
    logits_t = logits.T
    sc_out = _SC_KERNEL(logits_t, lab32)
    tc_out = _tc_part(logits_t, lab32.reshape(_ROWS // _BR, 1, _BR))
    return jnp.concatenate([sc_out, tc_out.reshape(_TC_ROWS)])

# --- scband reference (transcript-rebuilt; emitter-appended) ---
"""Pipeline reference for scband-margin-loss-38603166056702 (READ-ONLY COPY).

The authoritative reference and input builder live on the scoring server;
editing this copy changes nothing except your own understanding.
"""

import jax, jax.numpy as jnp
import numpy as np

NUM_CLASSES = 1000
K = 5

def setup_inputs(seed: int = 0) -> dict:
    key = jax.random.key(seed)
    k1, k2 = jax.random.split(key)
    logits = jax.random.normal(k1, (16384, NUM_CLASSES), dtype=jnp.float32)
    labels = jax.random.randint(k2, (16384,), 0, NUM_CLASSES, dtype=jnp.int64 if jax.config.jax_enable_x64 else jnp.int32)
    return {"logits": logits, "labels": labels}

def reference(logits, labels):
    conf = 1.0
    onehot = jax.nn.one_hot(labels, NUM_CLASSES, dtype=jnp.float32)
    true_logit5 = jnp.sum(logits * onehot, axis=-1, keepdims=True)
    masked = logits * (1.0 - onehot) - onehot * 10000000.0
    wrong_logit5, _idx = jax.lax.top_k(masked, K)
    target_loss5 = jnp.sum(jax.nn.relu(true_logit5 - wrong_logit5 + conf), axis=1)
    return target_loss5

if __name__ == "__main__":
    import jax
    _d = setup_inputs()
    print(jax.jit(kernel)(*tuple(_d.values())))

</pallas_src>

<mosaic_0001>
#map = affine_map<(d0, d1) -> (0, 0)>
#map1 = affine_map<(d0, d1) -> (0)>
module attributes {stable_mosaic.version = 14 : i64} {
  func.func @_sc_kernel(%arg0: i32, %arg1: i32, %arg2: memref<1000x16384xf32, #tpu.memory_space<hbm>>, %arg3: memref<16384xi32, #tpu.memory_space<hbm>>, %arg4: memref<8192xf32, #tpu.memory_space<hbm>>, %arg5: memref<1000x128xf32, #tpu.memory_space<vmem>>, %arg6: memref<256xi32, #tpu.memory_space<vmem>>, %arg7: memref<256xf32, #tpu.memory_space<vmem>>) attributes {dimension_semantics = [#tpu.dimension_semantics<core_parallel>, #tpu.dimension_semantics<subcore_parallel>], iteration_bounds = array<i64: 2, 16>, scalar_prefetch = 0 : i64, scratch_operands = 3 : i64, tpu.core_type = #tpu.core_type<sc_vector_subcore>, window_params = [{transform_indices = #map}, {transform_indices = #map1}, {transform_indices = #map1}]} {
    %mul3A = arith.constant 2 : i32
    %mul3A_0 = arith.muli %arg1, %mul3A : i32
    %add3A = arith.addi %mul3A_0, %arg0 : i32
    %mul3A_1 = arith.constant 256 : i32
    %mul3A_2 = arith.muli %add3A, %mul3A_1 : i32
    "tpu.region"() ({
      %run_scoped3A = tpu.sem_alloc : memref<!tpu.dma_semaphore, #tpu.memory_space<semaphore_mem>>
      %dma_start3A = tpu.memref_slice %arg3[%mul3A_2] : memref<16384xi32, #tpu.memory_space<hbm>> -> memref<256xi32, #tpu.memory_space<hbm>>
      %dma_start3A_9 = tpu.memref_slice %arg3[%mul3A_2] : memref<16384xi32, #tpu.memory_space<hbm>> -> memref<256xi32, #tpu.memory_space<hbm>>
      tpu.enqueue_dma source(%dma_start3A_9 : memref<256xi32, #tpu.memory_space<hbm>>) target(%arg6 : memref<256xi32, #tpu.memory_space<vmem>>) target_semaphore(%run_scoped3A : memref<!tpu.dma_semaphore, #tpu.memory_space<semaphore_mem>>)
      %dma_wait3A = tpu.memref_slice %arg3[%mul3A_2] : memref<16384xi32, #tpu.memory_space<hbm>> -> memref<256xi32, #tpu.memory_space<hbm>>
      %dma_wait3A_10 = tpu.memref_slice %arg3[%mul3A_2] : memref<16384xi32, #tpu.memory_space<hbm>> -> memref<256xi32, #tpu.memory_space<hbm>>
      tpu.wait_dma2 semaphore(%run_scoped3A : memref<!tpu.dma_semaphore, #tpu.memory_space<semaphore_mem>>) src(%dma_wait3A_10 : memref<256xi32, #tpu.memory_space<hbm>>) dst(%arg6 : memref<256xi32, #tpu.memory_space<vmem>>)
      tpu.yield
    }) : () -> ()
    %iota3A = tpu.iota {dimensions = array<i32: 0>} : vector<16xi32>
    %broadcast_in_dim3A = arith.constant 0xFF800000 : f32
    %broadcast_in_dim3A_3 = vector.broadcast %broadcast_in_dim3A : f32 to vector<16xf32>
    %scan3A = arith.constant 0 : i32
    %scan3A_4 = arith.constant 0 : i32
    %scan3A_5 = arith.constant 2 : i32
    %scan3A_6 = arith.addi %scan3A_4, %scan3A_5 : i32
    %scan3A_7 = arith.constant 1 : i32
    scf.for %scan3A_9 = %scan3A_4 to %scan3A_6 step %scan3A_7  : i32 {
      %mul3A_10 = arith.constant 128 : i32
      %mul3A_11 = arith.muli %scan3A_9, %mul3A_10 : i32
      %add3A_12 = arith.addi %mul3A_2, %mul3A_11 : i32
      "tpu.region"() ({
        %run_scoped3A = tpu.sem_alloc : memref<!tpu.dma_semaphore, #tpu.memory_space<semaphore_mem>>
        %dma_start3A = arith.constant 0 : i32
        %dma_start3A_367 = tpu.memref_slice %arg2[%dma_start3A, %add3A_12] : memref<1000x16384xf32, #tpu.memory_space<hbm>> -> memref<1000x128xf32, #tpu.memory_space<hbm>>
        %dma_start3A_368 = arith.constant 0 : i32
        %dma_start3A_369 = tpu.memref_slice %arg2[%dma_start3A_368, %add3A_12] : memref<1000x16384xf32, #tpu.memory_space<hbm>> -> memref<1000x128xf32, #tpu.memory_space<hbm>>
        tpu.enqueue_dma source(%dma_start3A_369 : memref<1000x128xf32, #tpu.memory_space<hbm>>) target(%arg5 : memref<1000x128xf32, #tpu.memory_space<vmem>>) target_semaphore(%run_scoped3A : memref<!tpu.dma_semaphore, #tpu.memory_space<semaphore_mem>>)
        %dma_wait3A = arith.constant 0 : i32
        %dma_wait3A_370 = tpu.memref_slice %arg2[%dma_wait3A, %add3A_12] : memref<1000x16384xf32, #tpu.memory_space<hbm>> -> memref<1000x128xf32, #tpu.memory_space<hbm>>
        %dma_wait3A_371 = arith.constant 0 : i32
        %dma_wait3A_372 = tpu.memref_slice %arg2[%dma_wait3A_371, %add3A_12] : memref<1000x16384xf32, #tpu.memory_space<hbm>> -> memref<1000x128xf32, #tpu.memory_space<hbm>>
        tpu.wait_dma2 semaphore(%run_scoped3A : memref<!tpu.dma_semaphore, #tpu.memory_space<semaphore_mem>>) src(%dma_wait3A_372 : memref<1000x128xf32, #tpu.memory_space<hbm>>) dst(%arg5 : memref<1000x128xf32, #tpu.memory_space<vmem>>)
        tpu.yield
      }) : () -> ()
      %mul3A_13 = arith.constant 128 : i32
      %mul3A_14 = arith.muli %scan3A_9, %mul3A_13 : i32
      %add3A_15 = arith.constant 0 : i32
      %add3A_16 = arith.addi %mul3A_14, %add3A_15 : i32
      %get3A = arith.index_cast %add3A_16 : i32 to index
      %get3A_17 = tpu.vector_load %arg6[%get3A] {strides = array<i32>} : memref<256xi32, #tpu.memory_space<vmem>>, vector<16xi32>,
      %add3A_18 = arith.constant 0 : i32
      %add3A_19 = vector.broadcast %add3A_18 : i32 to vector<16xi32>
      %add3A_20 = arith.addi %iota3A, %add3A_19 : vector<16xi32>
      %gather3A = tpu.vector_load_idx %arg5[%get3A_17, %add3A_20] : memref<1000x128xf32, #tpu.memory_space<vmem>>[vector<16xi32>, vector<16xi32>], vector<16xf32>,
      %broadcast_in_dim3A_21 = arith.constant -1.000000e+07 : f32
      %broadcast_in_dim3A_22 = vector.broadcast %broadcast_in_dim3A_21 : f32 to vector<16xf32>
      tpu.vector_store_idx %arg5[%get3A_17, %add3A_20], %broadcast_in_dim3A_22 : memref<1000x128xf32, #tpu.memory_space<vmem>>[vector<16xi32>, vector<16xi32>], vector<16xf32>,
      %parallel_loop3A = arith.constant 0 : i32
      %parallel_loop3A_23 = arith.constant 1000 : i32
      %parallel_loop3A_24 = arith.constant 1 : i32
      %parallel_loop3A_25:5 = scf.for %parallel_loop3A_367 = %parallel_loop3A to %parallel_loop3A_23 step %parallel_loop3A_24 iter_args(%parallel_loop3A_368 = %broadcast_in_dim3A_3, %parallel_loop3A_369 = %broadcast_in_dim3A_3, %parallel_loop3A_370 = %broadcast_in_dim3A_3, %parallel_loop3A_371 = %broadcast_in_dim3A_3, %parallel_loop3A_372 = %broadcast_in_dim3A_3) -> (vector<16xf32>, vector<16xf32>, vector<16xf32>, vector<16xf32>, vector<16xf32>)  : i32 {
        %parallel_loop3A_373 = arith.index_cast %parallel_loop3A_367 : i32 to index
        %parallel_loop3A_374 = arith.constant 0 : index
        %parallel_loop3A_375 = tpu.vector_load %arg5[%parallel_loop3A_373, %parallel_loop3A_374] {strides = array<i32>} : memref<1000x128xf32, #tpu.memory_space<vmem>>, vector<16xf32>,
        %parallel_loop3A_376 = arith.maximumf %parallel_loop3A_368, %parallel_loop3A_375 : vector<16xf32>
        %parallel_loop3A_377 = arith.minimumf %parallel_loop3A_368, %parallel_loop3A_375 : vector<16xf32>
        %parallel_loop3A_378 = arith.maximumf %parallel_loop3A_369, %parallel_loop3A_377 : vector<16xf32>
        %parallel_loop3A_379 = arith.minimumf %parallel_loop3A_369, %parallel_loop3A_377 : vector<16xf32>
        %parallel_loop3A_380 = arith.maximumf %parallel_loop3A_370, %parallel_loop3A_379 : vector<16xf32>
        %parallel_loop3A_381 = arith.minimumf %parallel_loop3A_370, %parallel_loop3A_379 : vector<16xf32>
        %parallel_loop3A_382 = arith.maximumf %parallel_loop3A_371, %parallel_loop3A_381 : vector<16xf32>
        %parallel_loop3A_383 = arith.minimumf %parallel_loop3A_371, %parallel_loop3A_381 : vector<16xf32>
        %parallel_loop3A_384 = arith.maximumf %parallel_loop3A_372, %parallel_loop3A_383 : vector<16xf32>
        scf.yield %parallel_loop3A_376, %parallel_loop3A_378, %parallel_loop3A_380, %parallel_loop3A_382, %parallel_loop3A_384 : vector<16xf32>, vector<16xf32>, vector<16xf32>, vector<16xf32>, vector<16xf32>
      } {sc.loop_unroll_factor = 2 : i64, sc.parallel_access}
      %add3A_26 = arith.constant 1.000000e+00 : f32
      %add3A_27 = vector.broadcast %add3A_26 : f32 to vector<16xf32>
      %add3A_28 = arith.addf %gather3A, %add3A_27 : vector<16xf32>
      %sub3A = arith.subf %add3A_28, %parallel_loop3A_25#0 : vector<16xf32>
      %max3A = arith.constant 0.000000e+00 : f32
      %max3A_29 = vector.broadcast %max3A : f32 to vector<16xf32>
      %max3A_30 = arith.maximumf %sub3A, %max3A_29 : vector<16xf32>
      %sub3A_31 = arith.subf %add3A_28, %parallel_loop3A_25#1 : vector<16xf32>
      %max3A_32 = arith.constant 0.000000e+00 : f32
      %max3A_33 = vector.broadcast %max3A_32 : f32 to vector<16xf32>
      %max3A_34 = arith.maximumf %sub3A_31, %max3A_33 : vector<16xf32>
      %add3A_35 = arith.addf %max3A_30, %max3A_34 : vector<16xf32>
      %sub3A_36 = arith.subf %add3A_28, %parallel_loop3A_25#2 : vector<16xf32>
      %max3A_37 = arith.constant 0.000000e+00 : f32
      %max3A_38 = vector.broadcast %max3A_37 : f32 to vector<16xf32>
      %max3A_39 = arith.maximumf %sub3A_36, %max3A_38 : vector<16xf32>
      %add3A_40 = arith.addf %add3A_35, %max3A_39 : vector<16xf32>
      %sub3A_41 = arith.subf %add3A_28, %parallel_loop3A_25#3 : vector<16xf32>
      %max3A_42 = arith.constant 0.000000e+00 : f32
      %max3A_43 = vector.broadcast %max3A_42 : f32 to vector<16xf32>
      %max3A_44 = arith.maximumf %sub3A_41, %max3A_43 : vector<16xf32>
      %add3A_45 = arith.addf %add3A_40, %max3A_44 : vector<16xf32>
      %sub3A_46 = arith.subf %add3A_28, %parallel_loop3A_25#4 : vector<16xf32>
      %max3A_47 = arith.constant 0.000000e+00 : f32
      %max3A_48 = vector.broadcast %max3A_47 : f32 to vector<16xf32>
      %max3A_49 = arith.maximumf %sub3A_46, %max3A_48 : vector<16xf32>
      %add3A_50 = arith.addf %add3A_45, %max3A_49 : vector<16xf32>
      %swap3A = arith.index_cast %add3A_16 : i32 to index
      %swap3A_51 = tpu.vector_load %arg7[%swap3A] {strides = array<i32>} : memref<256xf32, #tpu.memory_space<vmem>>, vector<16xf32>,
      tpu.vector_store %arg7[%swap3A], %add3A_50 {strides = array<i32>} : memref<256xf32, #tpu.memory_space<vmem>>, vector<16xf32>,
      %mul3A_52 = arith.constant 128 : i32
      %mul3A_53 = arith.muli %scan3A_9, %mul3A_52 : i32
      %add3A_54 = arith.constant 16 : i32
      %add3A_55 = arith.addi %mul3A_53, %add3A_54 : i32
      %get3A_56 = arith.index_cast %add3A_55 : i32 to index
      %get3A_57 = tpu.vector_load %arg6[%get3A_56] {strides = array<i32>} : memref<256xi32, #tpu.memory_space<vmem>>, vector<16xi32>,
      %add3A_58 = arith.constant 16 : i32
      %add3A_59 = vector.broadcast %add3A_58 : i32 to vector<16xi32>
      %add3A_60 = arith.addi %iota3A, %add3A_59 : vector<16xi32>
      %gather3A_61 = tpu.vector_load_idx %arg5[%get3A_57, %add3A_60] : memref<1000x128xf32, #tpu.memory_space<vmem>>[vector<16xi32>, vector<16xi32>], vector<16xf32>,
      %broadcast_in_dim3A_62 = arith.constant -1.000000e+07 : f32
      %broadcast_in_dim3A_63 = vector.broadcast %broadcast_in_dim3A_62 : f32 to vector<16xf32>
      tpu.vector_store_idx %arg5[%get3A_57, %add3A_60], %broadcast_in_dim3A_63 : memref<1000x128xf32, #tpu.memory_space<vmem>>[vector<16xi32>, vector<16xi32>], vector<16xf32>,
      %parallel_loop3A_64 = arith.constant 0 : i32
      %parallel_loop3A_65 = arith.constant 1000 : i32
      %parallel_loop3A_66 = arith.constant 1 : i32
      %parallel_loop3A_67:5 = scf.for %parallel_loop3A_367 = %parallel_loop3A_64 to %parallel_loop3A_65 step %parallel_loop3A_66 iter_args(%parallel_loop3A_368 = %broadcast_in_dim3A_3, %parallel_loop3A_369 = %broadcast_in_dim3A_3, %parallel_loop3A_370 = %broadcast_in_dim3A_3, %parallel_loop3A_371 = %broadcast_in_dim3A_3, %parallel_loop3A_372 = %broadcast_in_dim3A_3) -> (vector<16xf32>, vector<16xf32>, vector<16xf32>, vector<16xf32>, vector<16xf32>)  : i32 {
        %parallel_loop3A_373 = arith.index_cast %parallel_loop3A_367 : i32 to index
        %parallel_loop3A_374 = arith.constant 16 : index
        %parallel_loop3A_375 = tpu.vector_load %arg5[%parallel_loop3A_373, %parallel_loop3A_374] {strides = array<i32>} : memref<1000x128xf32, #tpu.memory_space<vmem>>, vector<16xf32>,
        %parallel_loop3A_376 = arith.maximumf %parallel_loop3A_368, %parallel_loop3A_375 : vector<16xf32>
        %parallel_loop3A_377 = arith.minimumf %parallel_loop3A_368, %parallel_loop3A_375 : vector<16xf32>
        %parallel_loop3A_378 = arith.maximumf %parallel_loop3A_369, %parallel_loop3A_377 : vector<16xf32>
        %parallel_loop3A_379 = arith.minimumf %parallel_loop3A_369, %parallel_loop3A_377 : vector<16xf32>
        %parallel_loop3A_380 = arith.maximumf %parallel_loop3A_370, %parallel_loop3A_379 : vector<16xf32>
        %parallel_loop3A_381 = arith.minimumf %parallel_loop3A_370, %parallel_loop3A_379 : vector<16xf32>
        %parallel_loop3A_382 = arith.maximumf %parallel_loop3A_371, %parallel_loop3A_381 : vector<16xf32>
        %parallel_loop3A_383 = arith.minimumf %parallel_loop3A_371, %parallel_loop3A_381 : vector<16xf32>
        %parallel_loop3A_384 = arith.maximumf %parallel_loop3A_372, %parallel_loop3A_383 : vector<16xf32>
        scf.yield %parallel_loop3A_376, %parallel_loop3A_378, %parallel_loop3A_380, %parallel_loop3A_382, %parallel_loop3A_384 : vector<16xf32>, vector<16xf32>, vector<16xf32>, vector<16xf32>, vector<16xf32>
      } {sc.loop_unroll_factor = 2 : i64, sc.parallel_access}
      %add3A_68 = arith.constant 1.000000e+00 : f32
      %add3A_69 = vector.broadcast %add3A_68 : f32 to vector<16xf32>
      %add3A_70 = arith.addf %gather3A_61, %add3A_69 : vector<16xf32>
      %sub3A_71 = arith.subf %add3A_70, %parallel_loop3A_67#0 : vector<16xf32>
      %max3A_72 = arith.constant 0.000000e+00 : f32
      %max3A_73 = vector.broadcast %max3A_72 : f32 to vector<16xf32>
      %max3A_74 = arith.maximumf %sub3A_71, %max3A_73 : vector<16xf32>
      %sub3A_75 = arith.subf %add3A_70, %parallel_loop3A_67#1 : vector<16xf32>
      %max3A_76 = arith.constant 0.000000e+00 : f32
      %max3A_77 = vector.broadcast %max3A_76 : f32 to vector<16xf32>
      %max3A_78 = arith.maximumf %sub3A_75, %max3A_77 : vector<16xf32>
      %add3A_79 = arith.addf %max3A_74, %max3A_78 : vector<16xf32>
      %sub3A_80 = arith.subf %add3A_70, %parallel_loop3A_67#2 : vector<16xf32>
      %max3A_81 = arith.constant 0.000000e+00 : f32
      %max3A_82 = vector.broadcast %max3A_81 : f32 to vector<16xf32>
      %max3A_83 = arith.maximumf %sub3A_80, %max3A_82 : vector<16xf32>
      %add3A_84 = arith.addf %add3A_79, %max3A_83 : vector<16xf32>
      %sub3A_85 = arith.subf %add3A_70, %parallel_loop3A_67#3 : vector<16xf32>
      %max3A_86 = arith.constant 0.000000e+00 : f32
      %max3A_87 = vector.broadcast %max3A_86 : f32 to vector<16xf32>
      %max3A_88 = arith.maximumf %sub3A_85, %max3A_87 : vector<16xf32>
      %add3A_89 = arith.addf %add3A_84, %max3A_88 : vector<16xf32>
      %sub3A_90 = arith.subf %add3A_70, %parallel_loop3A_67#4 : vector<16xf32>
      %max3A_91 = arith.constant 0.000000e+00 : f32
      %max3A_92 = vector.broadcast %max3A_91 : f32 to vector<16xf32>
      %max3A_93 = arith.maximumf %sub3A_90, %max3A_92 : vector<16xf32>
      %add3A_94 = arith.addf %add3A_89, %max3A_93 : vector<16xf32>
      %swap3A_95 = arith.index_cast %add3A_55 : i32 to index
      %swap3A_96 = tpu.vector_load %arg7[%swap3A_95] {strides = array<i32>} : memref<256xf32, #tpu.memory_space<vmem>>, vector<16xf32>,
      tpu.vector_store %arg7[%swap3A_95], %add3A_94 {strides = array<i32>} : memref<256xf32, #tpu.memory_space<vmem>>, vector<16xf32>,
      %mul3A_97 = arith.constant 128 : i32
      %mul3A_98 = arith.muli %scan3A_9, %mul3A_97 : i32
      %add3A_99 = arith.constant 32 : i32
      %add3A_100 = arith.addi %mul3A_98, %add3A_99 : i32
      %get3A_101 = arith.index_cast %add3A_100 : i32 to index
      %get3A_102 = tpu.vector_load %arg6[%get3A_101] {strides = array<i32>} : memref<256xi32, #tpu.memory_space<vmem>>, vector<16xi32>,
      %add3A_103 = arith.constant 32 : i32
      %add3A_104 = vector.broadcast %add3A_103 : i32 to vector<16xi32>
      %add3A_105 = arith.addi %iota3A, %add3A_104 : vector<16xi32>
      %gather3A_106 = tpu.vector_load_idx %arg5[%get3A_102, %add3A_105] : memref<1000x128xf32, #tpu.memory_space<vmem>>[vector<16xi32>, vector<16xi32>], vector<16xf32>,
      %broadcast_in_dim3A_107 = arith.constant -1.000000e+07 : f32
      %broadcast_in_dim3A_108 = vector.broadcast %broadcast_in_dim3A_107 : f32 to vector<16xf32>
      tpu.vector_store_idx %arg5[%get3A_102, %add3A_105], %broadcast_in_dim3A_108 : memref<1000x128xf32, #tpu.memory_space<vmem>>[vector<16xi32>, vector<16xi32>], vector<16xf32>,
      %parallel_loop3A_109 = arith.constant 0 : i32
      %parallel_loop3A_110 = arith.constant 1000 : i32
      %parallel_loop3A_111 = arith.constant 1 : i32
      %parallel_loop3A_112:5 = scf.for %parallel_loop3A_367 = %parallel_loop3A_109 to %parallel_loop3A_110 step %parallel_loop3A_111 iter_args(%parallel_loop3A_368 = %broadcast_in_dim3A_3, %parallel_loop3A_369 = %broadcast_in_dim3A_3, %parallel_loop3A_370 = %broadcast_in_dim3A_3, %parallel_loop3A_371 = %broadcast_in_dim3A_3, %parallel_loop3A_372 = %broadcast_in_dim3A_3) -> (vector<16xf32>, vector<16xf32>, vector<16xf32>, vector<16xf32>, vector<16xf32>)  : i32 {
        %parallel_loop3A_373 = arith.index_cast %parallel_loop3A_367 : i32 to index
        %parallel_loop3A_374 = arith.constant 32 : index
        %parallel_loop3A_375 = tpu.vector_load %arg5[%parallel_loop3A_373, %parallel_loop3A_374] {strides = array<i32>} : memref<1000x128xf32, #tpu.memory_space<vmem>>, vector<16xf32>,
        %parallel_loop3A_376 = arith.maximumf %parallel_loop3A_368, %parallel_loop3A_375 : vector<16xf32>
        %parallel_loop3A_377 = arith.minimumf %parallel_loop3A_368, %parallel_loop3A_375 : vector<16xf32>
        %parallel_loop3A_378 = arith.maximumf %parallel_loop3A_369, %parallel_loop3A_377 : vector<16xf32>
        %parallel_loop3A_379 = arith.minimumf %parallel_loop3A_369, %parallel_loop3A_377 : vector<16xf32>
        %parallel_loop3A_380 = arith.maximumf %parallel_loop3A_370, %parallel_loop3A_379 : vector<16xf32>
        %parallel_loop3A_381 = arith.minimumf %parallel_loop3A_370, %parallel_loop3A_379 : vector<16xf32>
        %parallel_loop3A_382 = arith.maximumf %parallel_loop3A_371, %parallel_loop3A_381 : vector<16xf32>
        %parallel_loop3A_383 = arith.minimumf %parallel_loop3A_371, %parallel_loop3A_381 : vector<16xf32>
        %parallel_loop3A_384 = arith.maximumf %parallel_loop3A_372, %parallel_loop3A_383 : vector<16xf32>
        scf.yield %parallel_loop3A_376, %parallel_loop3A_378, %parallel_loop3A_380, %parallel_loop3A_382, %parallel_loop3A_384 : vector<16xf32>, vector<16xf32>, vector<16xf32>, vector<16xf32>, vector<16xf32>
      } {sc.loop_unroll_factor = 2 : i64, sc.parallel_access}
      %add3A_113 = arith.constant 1.000000e+00 : f32
      %add3A_114 = vector.broadcast %add3A_113 : f32 to vector<16xf32>
      %add3A_115 = arith.addf %gather3A_106, %add3A_114 : vector<16xf32>
      %sub3A_116 = arith.subf %add3A_115, %parallel_loop3A_112#0 : vector<16xf32>
      %max3A_117 = arith.constant 0.000000e+00 : f32
      %max3A_118 = vector.broadcast %max3A_117 : f32 to vector<16xf32>
      %max3A_119 = arith.maximumf %sub3A_116, %max3A_118 : vector<16xf32>
      %sub3A_120 = arith.subf %add3A_115, %parallel_loop3A_112#1 : vector<16xf32>
      %max3A_121 = arith.constant 0.000000e+00 : f32
      %max3A_122 = vector.broadcast %max3A_121 : f32 to vector<16xf32>
      %max3A_123 = arith.maximumf %sub3A_120, %max3A_122 : vector<16xf32>
      %add3A_124 = arith.addf %max3A_119, %max3A_123 : vector<16xf32>
      %sub3A_125 = arith.subf %add3A_115, %parallel_loop3A_112#2 : vector<16xf32>
      %max3A_126 = arith.constant 0.000000e+00 : f32
      %max3A_127 = vector.broadcast %max3A_126 : f32 to vector<16xf32>
      %max3A_128 = arith.maximumf %sub3A_125, %max3A_127 : vector<16xf32>
      %add3A_129 = arith.addf %add3A_124, %max3A_128 : vector<16xf32>
      %sub3A_130 = arith.subf %add3A_115, %parallel_loop3A_112#3 : vector<16xf32>
      %max3A_131 = arith.constant 0.000000e+00 : f32
      %max3A_132 = vector.broadcast %max3A_131 : f32 to vector<16xf32>
      %max3A_133 = arith.maximumf %sub3A_130, %max3A_132 : vector<16xf32>
      %add3A_134 = arith.addf %add3A_129, %max3A_133 : vector<16xf32>
      %sub3A_135 = arith.subf %add3A_115, %parallel_loop3A_112#4 : vector<16xf32>
      %max3A_136 = arith.constant 0.000000e+00 : f32
      %max3A_137 = vector.broadcast %max3A_136 : f32 to vector<16xf32>
      %max3A_138 = arith.maximumf %sub3A_135, %max3A_137 : vector<16xf32>
      %add3A_139 = arith.addf %add3A_134, %max3A_138 : vector<16xf32>
      %swap3A_140 = arith.index_cast %add3A_100 : i32 to index
      %swap3A_141 = tpu.vector_load %arg7[%swap3A_140] {strides = array<i32>} : memref<256xf32, #tpu.memory_space<vmem>>, vector<16xf32>,
      tpu.vector_store %arg7[%swap3A_140], %add3A_139 {strides = array<i32>} : memref<256xf32, #tpu.memory_space<vmem>>, vector<16xf32>,
      %mul3A_142 = arith.constant 128 : i32
      %mul3A_143 = arith.muli %scan3A_9, %mul3A_142 : i32
      %add3A_144 = arith.constant 48 : i32
      %add3A_145 = arith.addi %mul3A_143, %add3A_144 : i32
      %get3A_146 = arith.index_cast %add3A_145 : i32 to index
      %get3A_147 = tpu.vector_load %arg6[%get3A_146] {strides = array<i32>} : memref<256xi32, #tpu.memory_space<vmem>>, vector<16xi32>,
      %add3A_148 = arith.constant 48 : i32
      %add3A_149 = vector.broadcast %add3A_148 : i32 to vector<16xi32>
      %add3A_150 = arith.addi %iota3A, %add3A_149 : vector<16xi32>
      %gather3A_151 = tpu.vector_load_idx %arg5[%get3A_147, %add3A_150] : memref<1000x128xf32, #tpu.memory_space<vmem>>[vector<16xi32>, vector<16xi32>], vector<16xf32>,
      %broadcast_in_dim3A_152 = arith.constant -1.000000e+07 : f32
      %broadcast_in_dim3A_153 = vector.broadcast %broadcast_in_dim3A_152 : f32 to vector<16xf32>
      tpu.vector_store_idx %arg5[%get3A_147, %add3A_150], %broadcast_in_dim3A_153 : memref<1000x128xf32, #tpu.memory_space<vmem>>[vector<16xi32>, vector<16xi32>], vector<16xf32>,
      %parallel_loop3A_154 = arith.constant 0 : i32
      %parallel_loop3A_155 = arith.constant 1000 : i32
      %parallel_loop3A_156 = arith.constant 1 : i32
      %parallel_loop3A_157:5 = scf.for %parallel_loop3A_367 = %parallel_loop3A_154 to %parallel_loop3A_155 step %parallel_loop3A_156 iter_args(%parallel_loop3A_368 = %broadcast_in_dim3A_3, %parallel_loop3A_369 = %broadcast_in_dim3A_3, %parallel_loop3A_370 = %broadcast_in_dim3A_3, %parallel_loop3A_371 = %broadcast_in_dim3A_3, %parallel_loop3A_372 = %broadcast_in_dim3A_3) -> (vector<16xf32>, vector<16xf32>, vector<16xf32>, vector<16xf32>, vector<16xf32>)  : i32 {
        %parallel_loop3A_373 = arith.index_cast %parallel_loop3A_367 : i32 to index
        %parallel_loop3A_374 = arith.constant 48 : index
        %parallel_loop3A_375 = tpu.vector_load %arg5[%parallel_loop3A_373, %parallel_loop3A_374] {strides = array<i32>} : memref<1000x128xf32, #tpu.memory_space<vmem>>, vector<16xf32>,
        %parallel_loop3A_376 = arith.maximumf %parallel_loop3A_368, %parallel_loop3A_375 : vector<16xf32>
        %parallel_loop3A_377 = arith.minimumf %parallel_loop3A_368, %parallel_loop3A_375 : vector<16xf32>
        %parallel_loop3A_378 = arith.maximumf %parallel_loop3A_369, %parallel_loop3A_377 : vector<16xf32>
        %parallel_loop3A_379 = arith.minimumf %parallel_loop3A_369, %parallel_loop3A_377 : vector<16xf32>
        %parallel_loop3A_380 = arith.maximumf %parallel_loop3A_370, %parallel_loop3A_379 : vector<16xf32>
        %parallel_loop3A_381 = arith.minimumf %parallel_loop3A_370, %parallel_loop3A_379 : vector<16xf32>
        %parallel_loop3A_382 = arith.maximumf %parallel_loop3A_371, %parallel_loop3A_381 : vector<16xf32>
        %parallel_loop3A_383 = arith.minimumf %parallel_loop3A_371, %parallel_loop3A_381 : vector<16xf32>
        %parallel_loop3A_384 = arith.maximumf %parallel_loop3A_372, %parallel_loop3A_383 : vector<16xf32>
        scf.yield %parallel_loop3A_376, %parallel_loop3A_378, %parallel_loop3A_380, %parallel_loop3A_382, %parallel_loop3A_384 : vector<16xf32>, vector<16xf32>, vector<16xf32>, vector<16xf32>, vector<16xf32>
      } {sc.loop_unroll_factor = 2 : i64, sc.parallel_access}
      %add3A_158 = arith.constant 1.000000e+00 : f32
      %add3A_159 = vector.broadcast %add3A_158 : f32 to vector<16xf32>
      %add3A_160 = arith.addf %gather3A_151, %add3A_159 : vector<16xf32>
      %sub3A_161 = arith.subf %add3A_160, %parallel_loop3A_157#0 : vector<16xf32>
      %max3A_162 = arith.constant 0.000000e+00 : f32
      %max3A_163 = vector.broadcast %max3A_162 : f32 to vector<16xf32>
      %max3A_164 = arith.maximumf %sub3A_161, %max3A_163 : vector<16xf32>
      %sub3A_165 = arith.subf %add3A_160, %parallel_loop3A_157#1 : vector<16xf32>
      %max3A_166 = arith.constant 0.000000e+00 : f32
      %max3A_167 = vector.broadcast %max3A_166 : f32 to vector<16xf32>
      %max3A_168 = arith.maximumf %sub3A_165, %max3A_167 : vector<16xf32>
      %add3A_169 = arith.addf %max3A_164, %max3A_168 : vector<16xf32>
      %sub3A_170 = arith.subf %add3A_160, %parallel_loop3A_157#2 : vector<16xf32>
      %max3A_171 = arith.constant 0.000000e+00 : f32
      %max3A_172 = vector.broadcast %max3A_171 : f32 to vector<16xf32>
      %max3A_173 = arith.maximumf %sub3A_170, %max3A_172 : vector<16xf32>
      %add3A_174 = arith.addf %add3A_169, %max3A_173 : vector<16xf32>
      %sub3A_175 = arith.subf %add3A_160, %parallel_loop3A_157#3 : vector<16xf32>
      %max3A_176 = arith.constant 0.000000e+00 : f32
      %max3A_177 = vector.broadcast %max3A_176 : f32 to vector<16xf32>
      %max3A_178 = arith.maximumf %sub3A_175, %max3A_177 : vector<16xf32>
      %add3A_179 = arith.addf %add3A_174, %max3A_178 : vector<16xf32>
      %sub3A_180 = arith.subf %add3A_160, %parallel_loop3A_157#4 : vector<16xf32>
      %max3A_181 = arith.constant 0.000000e+00 : f32
      %max3A_182 = vector.broadcast %max3A_181 : f32 to vector<16xf32>
      %max3A_183 = arith.maximumf %sub3A_180, %max3A_182 : vector<16xf32>
      %add3A_184 = arith.addf %add3A_179, %max3A_183 : vector<16xf32>
      %swap3A_185 = arith.index_cast %add3A_145 : i32 to index
      %swap3A_186 = tpu.vector_load %arg7[%swap3A_185] {strides = array<i32>} : memref<256xf32, #tpu.memory_space<vmem>>, vector<16xf32>,
      tpu.vector_store %arg7[%swap3A_185], %add3A_184 {strides = array<i32>} : memref<256xf32, #tpu.memory_space<vmem>>, vector<16xf32>,
      %mul3A_187 = arith.constant 128 : i32
      %mul3A_188 = arith.muli %scan3A_9, %mul3A_187 : i32
      %add3A_189 = arith.constant 64 : i32
      %add3A_190 = arith.addi %mul3A_188, %add3A_189 : i32
      %get3A_191 = arith.index_cast %add3A_190 : i32 to index
      %get3A_192 = tpu.vector_load %arg6[%get3A_191] {strides = array<i32>} : memref<256xi32, #tpu.memory_space<vmem>>, vector<16xi32>,
      %add3A_193 = arith.constant 64 : i32
      %add3A_194 = vector.broadcast %add3A_193 : i32 to vector<16xi32>
      %add3A_195 = arith.addi %iota3A, %add3A_194 : vector<16xi32>
      %gather3A_196 = tpu.vector_load_idx %arg5[%get3A_192, %add3A_195] : memref<1000x128xf32, #tpu.memory_space<vmem>>[vector<16xi32>, vector<16xi32>], vector<16xf32>,
      %broadcast_in_dim3A_197 = arith.constant -1.000000e+07 : f32
      %broadcast_in_dim3A_198 = vector.broadcast %broadcast_in_dim3A_197 : f32 to vector<16xf32>
      tpu.vector_store_idx %arg5[%get3A_192, %add3A_195], %broadcast_in_dim3A_198 : memref<1000x128xf32, #tpu.memory_space<vmem>>[vector<16xi32>, vector<16xi32>], vector<16xf32>,
      %parallel_loop3A_199 = arith.constant 0 : i32
      %parallel_loop3A_200 = arith.constant 1000 : i32
      %parallel_loop3A_201 = arith.constant 1 : i32
      %parallel_loop3A_202:5 = scf.for %parallel_loop3A_367 = %parallel_loop3A_199 to %parallel_loop3A_200 step %parallel_loop3A_201 iter_args(%parallel_loop3A_368 = %broadcast_in_dim3A_3, %parallel_loop3A_369 = %broadcast_in_dim3A_3, %parallel_loop3A_370 = %broadcast_in_dim3A_3, %parallel_loop3A_371 = %broadcast_in_dim3A_3, %parallel_loop3A_372 = %broadcast_in_dim3A_3) -> (vector<16xf32>, vector<16xf32>, vector<16xf32>, vector<16xf32>, vector<16xf32>)  : i32 {
        %parallel_loop3A_373 = arith.index_cast %parallel_loop3A_367 : i32 to index
        %parallel_loop3A_374 = arith.constant 64 : index
        %parallel_loop3A_375 = tpu.vector_load %arg5[%parallel_loop3A_373, %parallel_loop3A_374] {strides = array<i32>} : memref<1000x128xf32, #tpu.memory_space<vmem>>, vector<16xf32>,
        %parallel_loop3A_376 = arith.maximumf %parallel_loop3A_368, %parallel_loop3A_375 : vector<16xf32>
        %parallel_loop3A_377 = arith.minimumf %parallel_loop3A_368, %parallel_loop3A_375 : vector<16xf32>
        %parallel_loop3A_378 = arith.maximumf %parallel_loop3A_369, %parallel_loop3A_377 : vector<16xf32>
        %parallel_loop3A_379 = arith.minimumf %parallel_loop3A_369, %parallel_loop3A_377 : vector<16xf32>
        %parallel_loop3A_380 = arith.maximumf %parallel_loop3A_370, %parallel_loop3A_379 : vector<16xf32>
        %parallel_loop3A_381 = arith.minimumf %parallel_loop3A_370, %parallel_loop3A_379 : vector<16xf32>
        %parallel_loop3A_382 = arith.maximumf %parallel_loop3A_371, %parallel_loop3A_381 : vector<16xf32>
        %parallel_loop3A_383 = arith.minimumf %parallel_loop3A_371, %parallel_loop3A_381 : vector<16xf32>
        %parallel_loop3A_384 = arith.maximumf %parallel_loop3A_372, %parallel_loop3A_383 : vector<16xf32>
        scf.yield %parallel_loop3A_376, %parallel_loop3A_378, %parallel_loop3A_380, %parallel_loop3A_382, %parallel_loop3A_384 : vector<16xf32>, vector<16xf32>, vector<16xf32>, vector<16xf32>, vector<16xf32>
      } {sc.loop_unroll_factor = 2 : i64, sc.parallel_access}
      %add3A_203 = arith.constant 1.000000e+00 : f32
      %add3A_204 = vector.broadcast %add3A_203 : f32 to vector<16xf32>
      %add3A_205 = arith.addf %gather3A_196, %add3A_204 : vector<16xf32>
      %sub3A_206 = arith.subf %add3A_205, %parallel_loop3A_202#0 : vector<16xf32>
      %max3A_207 = arith.constant 0.000000e+00 : f32
      %max3A_208 = vector.broadcast %max3A_207 : f32 to vector<16xf32>
      %max3A_209 = arith.maximumf %sub3A_206, %max3A_208 : vector<16xf32>
      %sub3A_210 = arith.subf %add3A_205, %parallel_loop3A_202#1 : vector<16xf32>
      %max3A_211 = arith.constant 0.000000e+00 : f32
      %max3A_212 = vector.broadcast %max3A_211 : f32 to vector<16xf32>
      %max3A_213 = arith.maximumf %sub3A_210, %max3A_212 : vector<16xf32>
      %add3A_214 = arith.addf %max3A_209, %max3A_213 : vector<16xf32>
      %sub3A_215 = arith.subf %add3A_205, %parallel_loop3A_202#2 : vector<16xf32>
      %max3A_216 = arith.constant 0.000000e+00 : f32
      %max3A_217 = vector.broadcast %max3A_216 : f32 to vector<16xf32>
      %max3A_218 = arith.maximumf %sub3A_215, %max3A_217 : vector<16xf32>
      %add3A_219 = arith.addf %add3A_214, %max3A_218 : vector<16xf32>
      %sub3A_220 = arith.subf %add3A_205, %parallel_loop3A_202#3 : vector<16xf32>
      %max3A_221 = arith.constant 0.000000e+00 : f32
      %max3A_222 = vector.broadcast %max3A_221 : f32 to vector<16xf32>
      %max3A_223 = arith.maximumf %sub3A_220, %max3A_222 : vector<16xf32>
      %add3A_224 = arith.addf %add3A_219, %max3A_223 : vector<16xf32>
      %sub3A_225 = arith.subf %add3A_205, %parallel_loop3A_202#4 : vector<16xf32>
      %max3A_226 = arith.constant 0.000000e+00 : f32
      %max3A_227 = vector.broadcast %max3A_226 : f32 to vector<16xf32>
      %max3A_228 = arith.maximumf %sub3A_225, %max3A_227 : vector<16xf32>
      %add3A_229 = arith.addf %add3A_224, %max3A_228 : vector<16xf32>
      %swap3A_230 = arith.index_cast %add3A_190 : i32 to index
      %swap3A_231 = tpu.vector_load %arg7[%swap3A_230] {strides = array<i32>} : memref<256xf32, #tpu.memory_space<vmem>>, vector<16xf32>,
      tpu.vector_store %arg7[%swap3A_230], %add3A_229 {strides = array<i32>} : memref<256xf32, #tpu.memory_space<vmem>>, vector<16xf32>,
      %mul3A_232 = arith.constant 128 : i32
      %mul3A_233 = arith.muli %scan3A_9, %mul3A_232 : i32
      %add3A_234 = arith.constant 80 : i32
      %add3A_235 = arith.addi %mul3A_233, %add3A_234 : i32
      %get3A_236 = arith.index_cast %add3A_235 : i32 to index
      %get3A_237 = tpu.vector_load %arg6[%get3A_236] {strides = array<i32>} : memref<256xi32, #tpu.memory_space<vmem>>, vector<16xi32>,
      %add3A_238 = arith.constant 80 : i32
      %add3A_239 = vector.broadcast %add3A_238 : i32 to vector<16xi32>
      %add3A_240 = arith.addi %iota3A, %add3A_239 : vector<16xi32>
      %gather3A_241 = tpu.vector_load_idx %arg5[%get3A_237, %add3A_240] : memref<1000x128xf32, #tpu.memory_space<vmem>>[vector<16xi32>, vector<16xi32>], vector<16xf32>,
      %broadcast_in_dim3A_242 = arith.constant -1.000000e+07 : f32
      %broadcast_in_dim3A_243 = vector.broadcast %broadcast_in_dim3A_242 : f32 to vector<16xf32>
      tpu.vector_store_idx %arg5[%get3A_237, %add3A_240], %broadcast_in_dim3A_243 : memref<1000x128xf32, #tpu.memory_space<vmem>>[vector<16xi32>, vector<16xi32>], vector<16xf32>,
      %parallel_loop3A_244 = arith.constant 0 : i32
      %parallel_loop3A_245 = arith.constant 1000 : i32
      %parallel_loop3A_246 = arith.constant 1 : i32
      %parallel_loop3A_247:5 = scf.for %parallel_loop3A_367 = %parallel_loop3A_244 to %parallel_loop3A_245 step %parallel_loop3A_246 iter_args(%parallel_loop3A_368 = %broadcast_in_dim3A_3, %parallel_loop3A_369 = %broadcast_in_dim3A_3, %parallel_loop3A_370 = %broadcast_in_dim3A_3, %parallel_loop3A_371 = %broadcast_in_dim3A_3, %parallel_loop3A_372 = %broadcast_in_dim3A_3) -> (vector<16xf32>, vector<16xf32>, vector<16xf32>, vector<16xf32>, vector<16xf32>)  : i32 {
        %parallel_loop3A_373 = arith.index_cast %parallel_loop3A_367 : i32 to index
        %parallel_loop3A_374 = arith.constant 80 : index
        %parallel_loop3A_375 = tpu.vector_load %arg5[%parallel_loop3A_373, %parallel_loop3A_374] {strides = array<i32>} : memref<1000x128xf32, #tpu.memory_space<vmem>>, vector<16xf32>,
        %parallel_loop3A_376 = arith.maximumf %parallel_loop3A_368, %parallel_loop3A_375 : vector<16xf32>
        %parallel_loop3A_377 = arith.minimumf %parallel_loop3A_368, %parallel_loop3A_375 : vector<16xf32>
        %parallel_loop3A_378 = arith.maximumf %parallel_loop3A_369, %parallel_loop3A_377 : vector<16xf32>
        %parallel_loop3A_379 = arith.minimumf %parallel_loop3A_369, %parallel_loop3A_377 : vector<16xf32>
        %parallel_loop3A_380 = arith.maximumf %parallel_loop3A_370, %parallel_loop3A_379 : vector<16xf32>
        %parallel_loop3A_381 = arith.minimumf %parallel_loop3A_370, %parallel_loop3A_379 : vector<16xf32>
        %parallel_loop3A_382 = arith.maximumf %parallel_loop3A_371, %parallel_loop3A_381 : vector<16xf32>
        %parallel_loop3A_383 = arith.minimumf %parallel_loop3A_371, %parallel_loop3A_381 : vector<16xf32>
        %parallel_loop3A_384 = arith.maximumf %parallel_loop3A_372, %parallel_loop3A_383 : vector<16xf32>
        scf.yield %parallel_loop3A_376, %parallel_loop3A_378, %parallel_loop3A_380, %parallel_loop3A_382, %parallel_loop3A_384 : vector<16xf32>, vector<16xf32>, vector<16xf32>, vector<16xf32>, vector<16xf32>
      } {sc.loop_unroll_factor = 2 : i64, sc.parallel_access}
      %add3A_248 = arith.constant 1.000000e+00 : f32
      %add3A_249 = vector.broadcast %add3A_248 : f32 to vector<16xf32>
      %add3A_250 = arith.addf %gather3A_241, %add3A_249 : vector<16xf32>
      %sub3A_251 = arith.subf %add3A_250, %parallel_loop3A_247#0 : vector<16xf32>
      %max3A_252 = arith.constant 0.000000e+00 : f32
      %max3A_253 = vector.broadcast %max3A_252 : f32 to vector<16xf32>
      %max3A_254 = arith.maximumf %sub3A_251, %max3A_253 : vector<16xf32>
      %sub3A_255 = arith.subf %add3A_250, %parallel_loop3A_247#1 : vector<16xf32>
      %max3A_256 = arith.constant 0.000000e+00 : f32
      %max3A_257 = vector.broadcast %max3A_256 : f32 to vector<16xf32>
      %max3A_258 = arith.maximumf %sub3A_255, %max3A_257 : vector<16xf32>
      %add3A_259 = arith.addf %max3A_254, %max3A_258 : vector<16xf32>
      %sub3A_260 = arith.subf %add3A_250, %parallel_loop3A_247#2 : vector<16xf32>
      %max3A_261 = arith.constant 0.000000e+00 : f32
      %max3A_262 = vector.broadcast %max3A_261 : f32 to vector<16xf32>
      %max3A_263 = arith.maximumf %sub3A_260, %max3A_262 : vector<16xf32>
      %add3A_264 = arith.addf %add3A_259, %max3A_263 : vector<16xf32>
      %sub3A_265 = arith.subf %add3A_250, %parallel_loop3A_247#3 : vector<16xf32>
      %max3A_266 = arith.constant 0.000000e+00 : f32
      %max3A_267 = vector.broadcast %max3A_266 : f32 to vector<16xf32>
      %max3A_268 = arith.maximumf %sub3A_265, %max3A_267 : vector<16xf32>
      %add3A_269 = arith.addf %add3A_264, %max3A_268 : vector<16xf32>
      %sub3A_270 = arith.subf %add3A_250, %parallel_loop3A_247#4 : vector<16xf32>
      %max3A_271 = arith.constant 0.000000e+00 : f32
      %max3A_272 = vector.broadcast %max3A_271 : f32 to vector<16xf32>
      %max3A_273 = arith.maximumf %sub3A_270, %max3A_272 : vector<16xf32>
      %add3A_274 = arith.addf %add3A_269, %max3A_273 : vector<16xf32>
      %swap3A_275 = arith.index_cast %add3A_235 : i32 to index
      %swap3A_276 = tpu.vector_load %arg7[%swap3A_275] {strides = array<i32>} : memref<256xf32, #tpu.memory_space<vmem>>, vector<16xf32>,
      tpu.vector_store %arg7[%swap3A_275], %add3A_274 {strides = array<i32>} : memref<256xf32, #tpu.memory_space<vmem>>, vector<16xf32>,
      %mul3A_277 = arith.constant 128 : i32
      %mul3A_278 = arith.muli %scan3A_9, %mul3A_277 : i32
      %add3A_279 = arith.constant 96 : i32
      %add3A_280 = arith.addi %mul3A_278, %add3A_279 : i32
      %get3A_281 = arith.index_cast %add3A_280 : i32 to index
      %get3A_282 = tpu.vector_load %arg6[%get3A_281] {strides = array<i32>} : memref<256xi32, #tpu.memory_space<vmem>>, vector<16xi32>,
      %add3A_283 = arith.constant 96 : i32
      %add3A_284 = vector.broadcast %add3A_283 : i32 to vector<16xi32>
      %add3A_285 = arith.addi %iota3A, %add3A_284 : vector<16xi32>
      %gather3A_286 = tpu.vector_load_idx %arg5[%get3A_282, %add3A_285] : memref<1000x128xf32, #tpu.memory_space<vmem>>[vector<16xi32>, vector<16xi32>], vector<16xf32>,
      %broadcast_in_dim3A_287 = arith.constant -1.000000e+07 : f32
      %broadcast_in_dim3A_288 = vector.broadcast %broadcast_in_dim3A_287 : f32 to vector<16xf32>
      tpu.vector_store_idx %arg5[%get3A_282, %add3A_285], %broadcast_in_dim3A_288 : memref<1000x128xf32, #tpu.memory_space<vmem>>[vector<16xi32>, vector<16xi32>], vector<16xf32>,
      %parallel_loop3A_289 = arith.constant 0 : i32
      %parallel_loop3A_290 = arith.constant 1000 : i32
      %parallel_loop3A_291 = arith.constant 1 : i32
      %parallel_loop3A_292:5 = scf.for %parallel_loop3A_367 = %parallel_loop3A_289 to %parallel_loop3A_290 step %parallel_loop3A_291 iter_args(%parallel_loop3A_368 = %broadcast_in_dim3A_3, %parallel_loop3A_369 = %broadcast_in_dim3A_3, %parallel_loop3A_370 = %broadcast_in_dim3A_3, %parallel_loop3A_371 = %broadcast_in_dim3A_3, %parallel_loop3A_372 = %broadcast_in_dim3A_3) -> (vector<16xf32>, vector<16xf32>, vector<16xf32>, vector<16xf32>, vector<16xf32>)  : i32 {
        %parallel_loop3A_373 = arith.index_cast %parallel_loop3A_367 : i32 to index
        %parallel_loop3A_374 = arith.constant 96 : index
        %parallel_loop3A_375 = tpu.vector_load %arg5[%parallel_loop3A_373, %parallel_loop3A_374] {strides = array<i32>} : memref<1000x128xf32, #tpu.memory_space<vmem>>, vector<16xf32>,
        %parallel_loop3A_376 = arith.maximumf %parallel_loop3A_368, %parallel_loop3A_375 : vector<16xf32>
        %parallel_loop3A_377 = arith.minimumf %parallel_loop3A_368, %parallel_loop3A_375 : vector<16xf32>
        %parallel_loop3A_378 = arith.maximumf %parallel_loop3A_369, %parallel_loop3A_377 : vector<16xf32>
        %parallel_loop3A_379 = arith.minimumf %parallel_loop3A_369, %parallel_loop3A_377 : vector<16xf32>
        %parallel_loop3A_380 = arith.maximumf %parallel_loop3A_370, %parallel_loop3A_379 : vector<16xf32>
        %parallel_loop3A_381 = arith.minimumf %parallel_loop3A_370, %parallel_loop3A_379 : vector<16xf32>
        %parallel_loop3A_382 = arith.maximumf %parallel_loop3A_371, %parallel_loop3A_381 : vector<16xf32>
        %parallel_loop3A_383 = arith.minimumf %parallel_loop3A_371, %parallel_loop3A_381 : vector<16xf32>
        %parallel_loop3A_384 = arith.maximumf %parallel_loop3A_372, %parallel_loop3A_383 : vector<16xf32>
        scf.yield %parallel_loop3A_376, %parallel_loop3A_378, %parallel_loop3A_380, %parallel_loop3A_382, %parallel_loop3A_384 : vector<16xf32>, vector<16xf32>, vector<16xf32>, vector<16xf32>, vector<16xf32>
      } {sc.loop_unroll_factor = 2 : i64, sc.parallel_access}
      %add3A_293 = arith.constant 1.000000e+00 : f32
      %add3A_294 = vector.broadcast %add3A_293 : f32 to vector<16xf32>
      %add3A_295 = arith.addf %gather3A_286, %add3A_294 : vector<16xf32>
      %sub3A_296 = arith.subf %add3A_295, %parallel_loop3A_292#0 : vector<16xf32>
      %max3A_297 = arith.constant 0.000000e+00 : f32
      %max3A_298 = vector.broadcast %max3A_297 : f32 to vector<16xf32>
      %max3A_299 = arith.maximumf %sub3A_296, %max3A_298 : vector<16xf32>
      %sub3A_300 = arith.subf %add3A_295, %parallel_loop3A_292#1 : vector<16xf32>
      %max3A_301 = arith.constant 0.000000e+00 : f32
      %max3A_302 = vector.broadcast %max3A_301 : f32 to vector<16xf32>
      %max3A_303 = arith.maximumf %sub3A_300, %max3A_302 : vector<16xf32>
      %add3A_304 = arith.addf %max3A_299, %max3A_303 : vector<16xf32>
      %sub3A_305 = arith.subf %add3A_295, %parallel_loop3A_292#2 : vector<16xf32>
      %max3A_306 = arith.constant 0.000000e+00 : f32
      %max3A_307 = vector.broadcast %max3A_306 : f32 to vector<16xf32>
      %max3A_308 = arith.maximumf %sub3A_305, %max3A_307 : vector<16xf32>
      %add3A_309 = arith.addf %add3A_304, %max3A_308 : vector<16xf32>
      %sub3A_310 = arith.subf %add3A_295, %parallel_loop3A_292#3 : vector<16xf32>
      %max3A_311 = arith.constant 0.000000e+00 : f32
      %max3A_312 = vector.broadcast %max3A_311 : f32 to vector<16xf32>
      %max3A_313 = arith.maximumf %sub3A_310, %max3A_312 : vector<16xf32>
      %add3A_314 = arith.addf %add3A_309, %max3A_313 : vector<16xf32>
      %sub3A_315 = arith.subf %add3A_295, %parallel_loop3A_292#4 : vector<16xf32>
      %max3A_316 = arith.constant 0.000000e+00 : f32
      %max3A_317 = vector.broadcast %max3A_316 : f32 to vector<16xf32>
      %max3A_318 = arith.maximumf %sub3A_315, %max3A_317 : vector<16xf32>
      %add3A_319 = arith.addf %add3A_314, %max3A_318 : vector<16xf32>
      %swap3A_320 = arith.index_cast %add3A_280 : i32 to index
      %swap3A_321 = tpu.vector_load %arg7[%swap3A_320] {strides = array<i32>} : memref<256xf32, #tpu.memory_space<vmem>>, vector<16xf32>,
      tpu.vector_store %arg7[%swap3A_320], %add3A_319 {strides = array<i32>} : memref<256xf32, #tpu.memory_space<vmem>>, vector<16xf32>,
      %mul3A_322 = arith.constant 128 : i32
      %mul3A_323 = arith.muli %scan3A_9, %mul3A_322 : i32
      %add3A_324 = arith.constant 112 : i32
      %add3A_325 = arith.addi %mul3A_323, %add3A_324 : i32
      %get3A_326 = arith.index_cast %add3A_325 : i32 to index
      %get3A_327 = tpu.vector_load %arg6[%get3A_326] {strides = array<i32>} : memref<256xi32, #tpu.memory_space<vmem>>, vector<16xi32>,
      %add3A_328 = arith.constant 112 : i32
      %add3A_329 = vector.broadcast %add3A_328 : i32 to vector<16xi32>
      %add3A_330 = arith.addi %iota3A, %add3A_329 : vector<16xi32>
      %gather3A_331 = tpu.vector_load_idx %arg5[%get3A_327, %add3A_330] : memref<1000x128xf32, #tpu.memory_space<vmem>>[vector<16xi32>, vector<16xi32>], vector<16xf32>,
      %broadcast_in_dim3A_332 = arith.constant -1.000000e+07 : f32
      %broadcast_in_dim3A_333 = vector.broadcast %broadcast_in_dim3A_332 : f32 to vector<16xf32>
      tpu.vector_store_idx %arg5[%get3A_327, %add3A_330], %broadcast_in_dim3A_333 : memref<1000x128xf32, #tpu.memory_space<vmem>>[vector<16xi32>, vector<16xi32>], vector<16xf32>,
      %parallel_loop3A_334 = arith.constant 0 : i32
      %parallel_loop3A_335 = arith.constant 1000 : i32
      %parallel_loop3A_336 = arith.constant 1 : i32
      %parallel_loop3A_337:5 = scf.for %parallel_loop3A_367 = %parallel_loop3A_334 to %parallel_loop3A_335 step %parallel_loop3A_336 iter_args(%parallel_loop3A_368 = %broadcast_in_dim3A_3, %parallel_loop3A_369 = %broadcast_in_dim3A_3, %parallel_loop3A_370 = %broadcast_in_dim3A_3, %parallel_loop3A_371 = %broadcast_in_dim3A_3, %parallel_loop3A_372 = %broadcast_in_dim3A_3) -> (vector<16xf32>, vector<16xf32>, vector<16xf32>, vector<16xf32>, vector<16xf32>)  : i32 {
        %parallel_loop3A_373 = arith.index_cast %parallel_loop3A_367 : i32 to index
        %parallel_loop3A_374 = arith.constant 112 : index
        %parallel_loop3A_375 = tpu.vector_load %arg5[%parallel_loop3A_373, %parallel_loop3A_374] {strides = array<i32>} : memref<1000x128xf32, #tpu.memory_space<vmem>>, vector<16xf32>,
        %parallel_loop3A_376 = arith.maximumf %parallel_loop3A_368, %parallel_loop3A_375 : vector<16xf32>
        %parallel_loop3A_377 = arith.minimumf %parallel_loop3A_368, %parallel_loop3A_375 : vector<16xf32>
        %parallel_loop3A_378 = arith.maximumf %parallel_loop3A_369, %parallel_loop3A_377 : vector<16xf32>
        %parallel_loop3A_379 = arith.minimumf %parallel_loop3A_369, %parallel_loop3A_377 : vector<16xf32>
        %parallel_loop3A_380 = arith.maximumf %parallel_loop3A_370, %parallel_loop3A_379 : vector<16xf32>
        %parallel_loop3A_381 = arith.minimumf %parallel_loop3A_370, %parallel_loop3A_379 : vector<16xf32>
        %parallel_loop3A_382 = arith.maximumf %parallel_loop3A_371, %parallel_loop3A_381 : vector<16xf32>
        %parallel_loop3A_383 = arith.minimumf %parallel_loop3A_371, %parallel_loop3A_381 : vector<16xf32>
        %parallel_loop3A_384 = arith.maximumf %parallel_loop3A_372, %parallel_loop3A_383 : vector<16xf32>
        scf.yield %parallel_loop3A_376, %parallel_loop3A_378, %parallel_loop3A_380, %parallel_loop3A_382, %parallel_loop3A_384 : vector<16xf32>, vector<16xf32>, vector<16xf32>, vector<16xf32>, vector<16xf32>
      } {sc.loop_unroll_factor = 2 : i64, sc.parallel_access}
      %add3A_338 = arith.constant 1.000000e+00 : f32
      %add3A_339 = vector.broadcast %add3A_338 : f32 to vector<16xf32>
      %add3A_340 = arith.addf %gather3A_331, %add3A_339 : vector<16xf32>
      %sub3A_341 = arith.subf %add3A_340, %parallel_loop3A_337#0 : vector<16xf32>
      %max3A_342 = arith.constant 0.000000e+00 : f32
      %max3A_343 = vector.broadcast %max3A_342 : f32 to vector<16xf32>
      %max3A_344 = arith.maximumf %sub3A_341, %max3A_343 : vector<16xf32>
      %sub3A_345 = arith.subf %add3A_340, %parallel_loop3A_337#1 : vector<16xf32>
      %max3A_346 = arith.constant 0.000000e+00 : f32
      %max3A_347 = vector.broadcast %max3A_346 : f32 to vector<16xf32>
      %max3A_348 = arith.maximumf %sub3A_345, %max3A_347 : vector<16xf32>
      %add3A_349 = arith.addf %max3A_344, %max3A_348 : vector<16xf32>
      %sub3A_350 = arith.subf %add3A_340, %parallel_loop3A_337#2 : vector<16xf32>
      %max3A_351 = arith.constant 0.000000e+00 : f32
      %max3A_352 = vector.broadcast %max3A_351 : f32 to vector<16xf32>
      %max3A_353 = arith.maximumf %sub3A_350, %max3A_352 : vector<16xf32>
      %add3A_354 = arith.addf %add3A_349, %max3A_353 : vector<16xf32>
      %sub3A_355 = arith.subf %add3A_340, %parallel_loop3A_337#3 : vector<16xf32>
      %max3A_356 = arith.constant 0.000000e+00 : f32
      %max3A_357 = vector.broadcast %max3A_356 : f32 to vector<16xf32>
      %max3A_358 = arith.maximumf %sub3A_355, %max3A_357 : vector<16xf32>
      %add3A_359 = arith.addf %add3A_354, %max3A_358 : vector<16xf32>
      %sub3A_360 = arith.subf %add3A_340, %parallel_loop3A_337#4 : vector<16xf32>
      %max3A_361 = arith.constant 0.000000e+00 : f32
      %max3A_362 = vector.broadcast %max3A_361 : f32 to vector<16xf32>
      %max3A_363 = arith.maximumf %sub3A_360, %max3A_362 : vector<16xf32>
      %add3A_364 = arith.addf %add3A_359, %max3A_363 : vector<16xf32>
      %swap3A_365 = arith.index_cast %add3A_325 : i32 to index
      %swap3A_366 = tpu.vector_load %arg7[%swap3A_365] {strides = array<i32>} : memref<256xf32, #tpu.memory_space<vmem>>, vector<16xf32>,
      tpu.vector_store %arg7[%swap3A_365], %add3A_364 {strides = array<i32>} : memref<256xf32, #tpu.memory_space<vmem>>, vector<16xf32>,
    }
    %scan3A_8 = arith.constant 2 : i32
    "tpu.region"() ({
      %run_scoped3A = tpu.sem_alloc : memref<!tpu.dma_semaphore, #tpu.memory_space<semaphore_mem>>
      %dma_start3A = tpu.memref_slice %arg4[%mul3A_2] : memref<8192xf32, #tpu.memory_space<hbm>> -> memref<256xf32, #tpu.memory_space<hbm>>
      %dma_start3A_9 = tpu.memref_slice %arg4[%mul3A_2] : memref<8192xf32, #tpu.memory_space<hbm>> -> memref<256xf32, #tpu.memory_space<hbm>>
      tpu.enqueue_dma source(%arg7 : memref<256xf32, #tpu.memory_space<vmem>>) target(%dma_start3A_9 : memref<256xf32, #tpu.memory_space<hbm>>) target_semaphore(%run_scoped3A : memref<!tpu.dma_semaphore, #tpu.memory_space<semaphore_mem>>)
      %dma_wait3A = tpu.memref_slice %arg4[%mul3A_2] : memref<8192xf32, #tpu.memory_space<hbm>> -> memref<256xf32, #tpu.memory_space<hbm>>
      %dma_wait3A_10 = tpu.memref_slice %arg4[%mul3A_2] : memref<8192xf32, #tpu.memory_space<hbm>> -> memref<256xf32, #tpu.memory_space<hbm>>
      tpu.wait_dma2 semaphore(%run_scoped3A : memref<!tpu.dma_semaphore, #tpu.memory_space<semaphore_mem>>) src(%arg7 : memref<256xf32, #tpu.memory_space<vmem>>) dst(%dma_wait3A_10 : memref<256xf32, #tpu.memory_space<hbm>>)
      tpu.yield
    }) : () -> ()
    return
  }
}

module attributes {stable_mosaic.version = 14 : i64} {
  func.func @_tc_body(%arg0: i32, %arg1: memref<1x1x256xi32, #tpu.memory_space<vmem>>, %arg2: memref<1000x256xf32, #tpu.memory_space<vmem>>, %arg3: memref<1x1x256xf32, #tpu.memory_space<vmem>>) attributes {dimension_semantics = [#tpu.dimension_semantics<arbitrary>], iteration_bounds = array<i64: 32>, scalar_prefetch = 0 : i64, scratch_operands = 0 : i64, tpu.core_type = #tpu.core_type<tc>, window_params = [{transform_indices = @transform_0, window_bounds = array<i64: 1, 1, 256>}, {transform_indices = @transform_1, window_bounds = array<i64: 1000, 256>}, {transform_indices = @transform_2, window_bounds = array<i64: 1, 1, 256>}]} {
    %get3A = arith.constant 0 : index
    %get3A_0 = arith.constant 0 : index
    %get3A_1 = vector.load %arg2[%get3A, %get3A_0] : memref<1000x256xf32, #tpu.memory_space<vmem>>, vector<1000x256xf32>
    %get3A_2 = arith.constant 0 : index
    %get3A_3 = arith.constant 0 : index
    %get3A_4 = arith.constant 0 : index
    %get3A_5 = vector.load %arg1[%get3A_2, %get3A_3, %get3A_4] : memref<1x1x256xi32, #tpu.memory_space<vmem>>, vector<1x1x256xi32>
    %squeeze3A = vector.shape_cast %get3A_5 : vector<1x1x256xi32> to vector<1x256xi32>
    %iota3A = tpu.iota {dimensions = array<i32: 0>} : vector<1000x256xi32>
    %eq3A = vector.broadcast %squeeze3A : vector<1x256xi32> to vector<1000x256xi32>
    %eq3A_6 = arith.cmpi eq, %iota3A, %eq3A : vector<1000x256xi32>
    %jit3A = arith.constant 0.000000e+00 : f32
    %broadcast_in_dim3A = vector.broadcast %jit3A : f32 to vector<1000x256xf32>
    %select_n3A = arith.select %eq3A_6, %get3A_1, %broadcast_in_dim3A : vector<1000x256xi1>, vector<1000x256xf32>
    %reduce_sum3A = arith.constant dense<0.000000e+00> : vector<256xf32>
    %reduce_sum3A_7 = vector.multi_reduction <add>, %select_n3A, %reduce_sum3A [0] : vector<1000x256xf32> to vector<256xf32>
    %broadcast_in_dim3A_8 = vector.shape_cast %reduce_sum3A_7 : vector<256xf32> to vector<1x256xf32>
    %jit3A_9 = arith.constant -1.000000e+07 : f32
    %broadcast_in_dim3A_10 = vector.broadcast %jit3A_9 : f32 to vector<1000x256xf32>
    %select_n3A_11 = arith.select %eq3A_6, %broadcast_in_dim3A_10, %get3A_1 : vector<1000x256xi1>, vector<1000x256xf32>
    %broadcast_in_dim3A_12 = arith.constant 0.000000e+00 : f32
    %broadcast_in_dim3A_13 = vector.broadcast %broadcast_in_dim3A_12 : f32 to vector<1x256xf32>
    %reduce_max3A = arith.constant dense<0xFF800000> : vector<256xf32>
    %reduce_max3A_14 = vector.multi_reduction <maximumf>, %select_n3A_11, %reduce_max3A [0] : vector<1000x256xf32> to vector<256xf32>
    %broadcast_in_dim3A_15 = vector.shape_cast %reduce_max3A_14 : vector<256xf32> to vector<1x256xf32>
    %sub3A = arith.subf %broadcast_in_dim3A_8, %broadcast_in_dim3A_15 : vector<1x256xf32>
    %add3A = arith.constant 1.000000e+00 : f32
    %add3A_16 = vector.broadcast %add3A : f32 to vector<1x256xf32>
    %add3A_17 = arith.addf %sub3A, %add3A_16 : vector<1x256xf32>
    %max3A = arith.constant 0.000000e+00 : f32
    %max3A_18 = vector.broadcast %max3A : f32 to vector<1x256xf32>
    %max3A_19 = arith.maximumf %add3A_17, %max3A_18 : vector<1x256xf32>
    %add3A_20 = arith.addf %broadcast_in_dim3A_13, %max3A_19 : vector<1x256xf32>
    %eq3A_21 = vector.broadcast %broadcast_in_dim3A_15 : vector<1x256xf32> to vector<1000x256xf32>
    %eq3A_22 = arith.cmpf oeq, %select_n3A_11, %eq3A_21 : vector<1000x256xf32>
    %jit3A_23 = arith.constant 1000 : i32
    %broadcast_in_dim3A_24 = vector.broadcast %jit3A_23 : i32 to vector<1000x256xi32>
    %select_n3A_25 = arith.select %eq3A_22, %iota3A, %broadcast_in_dim3A_24 : vector<1000x256xi1>, vector<1000x256xi32>
    %reduce_min3A = arith.constant dense<2147483647> : vector<256xi32>
    %reduce_min3A_26 = vector.multi_reduction <minsi>, %select_n3A_25, %reduce_min3A [0] : vector<1000x256xi32> to vector<256xi32>
    %broadcast_in_dim3A_27 = vector.shape_cast %reduce_min3A_26 : vector<256xi32> to vector<1x256xi32>
    %eq3A_28 = vector.broadcast %broadcast_in_dim3A_27 : vector<1x256xi32> to vector<1000x256xi32>
    %eq3A_29 = arith.cmpi eq, %iota3A, %eq3A_28 : vector<1000x256xi32>
    %jit3A_30 = arith.constant 0xFF800000 : f32
    %broadcast_in_dim3A_31 = vector.broadcast %jit3A_30 : f32 to vector<1000x256xf32>
    %select_n3A_32 = arith.select %eq3A_29, %broadcast_in_dim3A_31, %select_n3A_11 : vector<1000x256xi1>, vector<1000x256xf32>
    %reduce_max3A_33 = arith.constant dense<0xFF800000> : vector<256xf32>
    %reduce_max3A_34 = vector.multi_reduction <maximumf>, %select_n3A_32, %reduce_max3A_33 [0] : vector<1000x256xf32> to vector<256xf32>
    %broadcast_in_dim3A_35 = vector.shape_cast %reduce_max3A_34 : vector<256xf32> to vector<1x256xf32>
    %sub3A_36 = arith.subf %broadcast_in_dim3A_8, %broadcast_in_dim3A_35 : vector<1x256xf32>
    %add3A_37 = arith.constant 1.000000e+00 : f32
    %add3A_38 = vector.broadcast %add3A_37 : f32 to vector<1x256xf32>
    %add3A_39 = arith.addf %sub3A_36, %add3A_38 : vector<1x256xf32>
    %max3A_40 = arith.constant 0.000000e+00 : f32
    %max3A_41 = vector.broadcast %max3A_40 : f32 to vector<1x256xf32>
    %max3A_42 = arith.maximumf %add3A_39, %max3A_41 : vector<1x256xf32>
    %add3A_43 = arith.addf %add3A_20, %max3A_42 : vector<1x256xf32>
    %eq3A_44 = vector.broadcast %broadcast_in_dim3A_35 : vector<1x256xf32> to vector<1000x256xf32>
    %eq3A_45 = arith.cmpf oeq, %select_n3A_32, %eq3A_44 : vector<1000x256xf32>
    %jit3A_46 = arith.constant 1000 : i32
    %broadcast_in_dim3A_47 = vector.broadcast %jit3A_46 : i32 to vector<1000x256xi32>
    %select_n3A_48 = arith.select %eq3A_45, %iota3A, %broadcast_in_dim3A_47 : vector<1000x256xi1>, vector<1000x256xi32>
    %reduce_min3A_49 = arith.constant dense<2147483647> : vector<256xi32>
    %reduce_min3A_50 = vector.multi_reduction <minsi>, %select_n3A_48, %reduce_min3A_49 [0] : vector<1000x256xi32> to vector<256xi32>
    %broadcast_in_dim3A_51 = vector.shape_cast %reduce_min3A_50 : vector<256xi32> to vector<1x256xi32>
    %eq3A_52 = vector.broadcast %broadcast_in_dim3A_51 : vector<1x256xi32> to vector<1000x256xi32>
    %eq3A_53 = arith.cmpi eq, %iota3A, %eq3A_52 : vector<1000x256xi32>
    %jit3A_54 = arith.constant 0xFF800000 : f32
    %broadcast_in_dim3A_55 = vector.broadcast %jit3A_54 : f32 to vector<1000x256xf32>
    %select_n3A_56 = arith.select %eq3A_53, %broadcast_in_dim3A_55, %select_n3A_32 : vector<1000x256xi1>, vector<1000x256xf32>
    %reduce_max3A_57 = arith.constant dense<0xFF800000> : vector<256xf32>
    %reduce_max3A_58 = vector.multi_reduction <maximumf>, %select_n3A_56, %reduce_max3A_57 [0] : vector<1000x256xf32> to vector<256xf32>
    %broadcast_in_dim3A_59 = vector.shape_cast %reduce_max3A_58 : vector<256xf32> to vector<1x256xf32>
    %sub3A_60 = arith.subf %broadcast_in_dim3A_8, %broadcast_in_dim3A_59 : vector<1x256xf32>
    %add3A_61 = arith.constant 1.000000e+00 : f32
    %add3A_62 = vector.broadcast %add3A_61 : f32 to vector<1x256xf32>
    %add3A_63 = arith.addf %sub3A_60, %add3A_62 : vector<1x256xf32>
    %max3A_64 = arith.constant 0.000000e+00 : f32
    %max3A_65 = vector.broadcast %max3A_64 : f32 to vector<1x256xf32>
    %max3A_66 = arith.maximumf %add3A_63, %max3A_65 : vector<1x256xf32>
    %add3A_67 = arith.addf %add3A_43, %max3A_66 : vector<1x256xf32>
    %eq3A_68 = vector.broadcast %broadcast_in_dim3A_59 : vector<1x256xf32> to vector<1000x256xf32>
    %eq3A_69 = arith.cmpf oeq, %select_n3A_56, %eq3A_68 : vector<1000x256xf32>
    %jit3A_70 = arith.constant 1000 : i32
    %broadcast_in_dim3A_71 = vector.broadcast %jit3A_70 : i32 to vector<1000x256xi32>
    %select_n3A_72 = arith.select %eq3A_69, %iota3A, %broadcast_in_dim3A_71 : vector<1000x256xi1>, vector<1000x256xi32>
    %reduce_min3A_73 = arith.constant dense<2147483647> : vector<256xi32>
    %reduce_min3A_74 = vector.multi_reduction <minsi>, %select_n3A_72, %reduce_min3A_73 [0] : vector<1000x256xi32> to vector<256xi32>
    %broadcast_in_dim3A_75 = vector.shape_cast %reduce_min3A_74 : vector<256xi32> to vector<1x256xi32>
    %eq3A_76 = vector.broadcast %broadcast_in_dim3A_75 : vector<1x256xi32> to vector<1000x256xi32>
    %eq3A_77 = arith.cmpi eq, %iota3A, %eq3A_76 : vector<1000x256xi32>
    %jit3A_78 = arith.constant 0xFF800000 : f32
    %broadcast_in_dim3A_79 = vector.broadcast %jit3A_78 : f32 to vector<1000x256xf32>
    %select_n3A_80 = arith.select %eq3A_77, %broadcast_in_dim3A_79, %select_n3A_56 : vector<1000x256xi1>, vector<1000x256xf32>
    %reduce_max3A_81 = arith.constant dense<0xFF800000> : vector<256xf32>
    %reduce_max3A_82 = vector.multi_reduction <maximumf>, %select_n3A_80, %reduce_max3A_81 [0] : vector<1000x256xf32> to vector<256xf32>
    %broadcast_in_dim3A_83 = vector.shape_cast %reduce_max3A_82 : vector<256xf32> to vector<1x256xf32>
    %sub3A_84 = arith.subf %broadcast_in_dim3A_8, %broadcast_in_dim3A_83 : vector<1x256xf32>
    %add3A_85 = arith.constant 1.000000e+00 : f32
    %add3A_86 = vector.broadcast %add3A_85 : f32 to vector<1x256xf32>
    %add3A_87 = arith.addf %sub3A_84, %add3A_86 : vector<1x256xf32>
    %max3A_88 = arith.constant 0.000000e+00 : f32
    %max3A_89 = vector.broadcast %max3A_88 : f32 to vector<1x256xf32>
    %max3A_90 = arith.maximumf %add3A_87, %max3A_89 : vector<1x256xf32>
    %add3A_91 = arith.addf %add3A_67, %max3A_90 : vector<1x256xf32>
    %eq3A_92 = vector.broadcast %broadcast_in_dim3A_83 : vector<1x256xf32> to vector<1000x256xf32>
    %eq3A_93 = arith.cmpf oeq, %select_n3A_80, %eq3A_92 : vector<1000x256xf32>
    %jit3A_94 = arith.constant 1000 : i32
    %broadcast_in_dim3A_95 = vector.broadcast %jit3A_94 : i32 to vector<1000x256xi32>
    %select_n3A_96 = arith.select %eq3A_93, %iota3A, %broadcast_in_dim3A_95 : vector<1000x256xi1>, vector<1000x256xi32>
    %reduce_min3A_97 = arith.constant dense<2147483647> : vector<256xi32>
    %reduce_min3A_98 = vector.multi_reduction <minsi>, %select_n3A_96, %reduce_min3A_97 [0] : vector<1000x256xi32> to vector<256xi32>
    %broadcast_in_dim3A_99 = vector.shape_cast %reduce_min3A_98 : vector<256xi32> to vector<1x256xi32>
    %eq3A_100 = vector.broadcast %broadcast_in_dim3A_99 : vector<1x256xi32> to vector<1000x256xi32>
    %eq3A_101 = arith.cmpi eq, %iota3A, %eq3A_100 : vector<1000x256xi32>
    %jit3A_102 = arith.constant 0xFF800000 : f32
    %broadcast_in_dim3A_103 = vector.broadcast %jit3A_102 : f32 to vector<1000x256xf32>
    %select_n3A_104 = arith.select %eq3A_101, %broadcast_in_dim3A_103, %select_n3A_80 : vector<1000x256xi1>, vector<1000x256xf32>
    %reduce_max3A_105 = arith.constant dense<0xFF800000> : vector<256xf32>
    %reduce_max3A_106 = vector.multi_reduction <maximumf>, %select_n3A_104, %reduce_max3A_105 [0] : vector<1000x256xf32> to vector<256xf32>
    %broadcast_in_dim3A_107 = vector.shape_cast %reduce_max3A_106 : vector<256xf32> to vector<1x256xf32>
    %sub3A_108 = arith.subf %broadcast_in_dim3A_8, %broadcast_in_dim3A_107 : vector<1x256xf32>
    %add3A_109 = arith.constant 1.000000e+00 : f32
    %add3A_110 = vector.broadcast %add3A_109 : f32 to vector<1x256xf32>
    %add3A_111 = arith.addf %sub3A_108, %add3A_110 : vector<1x256xf32>
    %max3A_112 = arith.constant 0.000000e+00 : f32
    %max3A_113 = vector.broadcast %max3A_112 : f32 to vector<1x256xf32>
    %max3A_114 = arith.maximumf %add3A_111, %max3A_113 : vector<1x256xf32>
    %add3A_115 = arith.addf %add3A_91, %max3A_114 : vector<1x256xf32>
    %broadcast_in_dim3A_116 = vector.shape_cast %add3A_115 : vector<1x256xf32> to vector<1x1x256xf32>
    %swap3A = arith.constant 0 : index
    %swap3A_117 = arith.constant 0 : index
    %swap3A_118 = arith.constant 0 : index
    %swap3A_119 = vector.load %arg3[%swap3A, %swap3A_117, %swap3A_118] : memref<1x1x256xf32, #tpu.memory_space<vmem>>, vector<1x1x256xf32>
    tpu.vector_store %arg3[%swap3A, %swap3A_117, %swap3A_118], %broadcast_in_dim3A_116 {strides = array<i32>} : memref<1x1x256xf32, #tpu.memory_space<vmem>>, vector<1x1x256xf32>,
    return
  }
  func.func @transform_0(%arg0: i32) -> (i32, i32, i32) {
    %add3A = arith.constant 32 : i32
    %add3A_0 = arith.addi %arg0, %add3A : i32
    %c0_i32 = arith.constant 0 : i32
    %c0_i32_1 = arith.constant 0 : i32
    %c0_i32_2 = arith.constant 0 : i32
    return %add3A_0, %c0_i32, %c0_i32_1 : i32, i32, i32
  }
  func.func @transform_1(%arg0: i32) -> (i32, i32) {
    %add3A = arith.constant 32 : i32
    %add3A_0 = arith.addi %arg0, %add3A : i32
    %c0_i32 = arith.constant 0 : i32
    %c0_i32_1 = arith.constant 0 : i32
    return %c0_i32, %add3A_0 : i32, i32
  }
  func.func @transform_2(%arg0: i32) -> (i32, i32, i32) {
    %c0_i32 = arith.constant 0 : i32
    %c0_i32_0 = arith.constant 0 : i32
    %c0_i32_1 = arith.constant 0 : i32
    return %arg0, %c0_i32, %c0_i32_0 : i32, i32, i32
  }
}

</mosaic_0001>

<sc_bundles>
// kernel: kernel.4.cloned.1.call-start
scs
__scs_entry_jumppad:
0x0: {  	(pc) =	sbr.rel $0x88, $3  }
0x1: {  	(tag) =	ssettag $0x0;
	lr =	simm.s32 $0x1  }
0x2: {  	[smem:$0x3F9F] =	sst lr;
	_ =	strace $0xD0000000  }
0x3: {  	_ = 	snop  }
0x4: {  	_ = 	snop  }
0x5: {  	_ = 	snop  }
0x6: {  	_ = 	snop  }
0x7: {  	_ = 	snop  }
__scs_overlays_trampoline_lowered:
0x8: {  	[smem:$0x3FAE] =	sst s0  }
0x9: {  	[smem:$0x3FAF] =	sst s1  }
0xa: {  	[smem:$0x3FB0] =	sst s2  }
0xb: {  	[smem:$0x3FB1] =	sst s3  }
0xc: {  	[smem:$0x3FB2] =	sst s4  }
0xd: {  	[smem:$0x3FB3] =	sst s5  }
0xe: {  	[smem:$0x3FB4] =	sst s6  }
0xf: {  	[smem:$0x3FB5] =	sst s7  }
0x10: {  	[smem:$0x3FB6] =	sst s8  }
0x11: {  	[smem:$0x3FB7] =	sst s9;
	s0 =	simm.s32 @!p0 $0x0  }
0x12: {  	s1 =	sld [smem:$0x3F9D];
	s0 =	simm.s32 @p0 $0x1  }
0x13: {  	[smem:$0x3FB8] =	sst s0;
	s0 =	simm.s32 @!p1 $0x0  }
0x14: {  	s2 =	sld [smem:$0x3F9C];
	s0 =	simm.s32 @p1 $0x1  }
0x15: {  	[smem:$0x3FB9] =	sst s0;
	s0 =	simm.s32 @!p2 $0x0  }
0x16: {  	s3 =	sld [smem:$0x3FDB];
	s0 =	simm.s32 @p2 $0x1  }
0x17: {  	s4 =	simm.s32 $0x1BF5;
	[smem:$0x3FBB] =	sst s0  }
0x18: {  	s0 =	sld [smem:$0x3F9E];
	_ =	swait.ge [sflag:s4], $0x0  }
0x19: {  	s7 =	sld [smem:$0x3F9F]  }
0x1a: {  	s8 =	sadd.s32 $0xFFFFE003, lr  }
0x1b: {  	s9 =	sadd.s32 $0xFFFFFEF7, lr;
	s5 =	simm.s32 $0xFFFFFFFF;
	p2 =	slt.u32 s8, $0xFFFFF086  }
0x1c: {  	p1 =	slt.u32 s9, $0xF7A;
	s5 =	simm.s32 @!p2 $0x0  }
0x1d: {  	s5 =	simm.s32 @p1 $0x1;
	p0 =	seq.s32 s7, s2  }
0x1e: {  	s7 =	smul.u32 @!p0 $0xF7A, s2;
	p2 =	seq.s32 @!p0 s5, $0x0  }
0x1f: {  	s9 =	smul.u32 $0xF7A, s1;
	s8 =	simm.s32 @!p0 $0x1BF5;
	p2 =	por !p2, p0  }
0x20: {  	[sflag:s8] =	ssyncset.s32 @!p0 $0xFFFFF086;
	s6 =	sadd.s32 @!p0 s3, s7;
	s7 =	simm.s32 @!p0 $0x108  }
0x21: {  	s3 =	sadd.s32 s3, s9;
	s6 =	sadd.s32 @!p0 $0x88, s6;
	s7 =	simm.s32 @p2 $0x1082  }
0x22: {  	[simem:s7], [sflag:s8] =	dma.local @!p0 [hbm:s6], $0xF7A  }
0x23: {  	s9 =	sor.u32 $0xD0000000, s2;
	s6 =	simm.s32 $0x108;
	_ =	swait.ge @!p0 [sflag:s8], $0x0  }
0x24: {  	s3 =	sadd.s32 $0x88, s3;
	s6 =	simm.s32 @!p1 $0x1082;
	[sflag:s4] =	ssyncset.s32 $0xFFFFF086  }
0x25: {  	[simem:s6], [sflag:s4] =	dma.local [hbm:s3], $0xF7A  }
0x26: {  	[smem:$0x3F9F] =	sst s1;
	(tag) =	ssettag s2;
	_ =	strace s9  }
0x27: {  	s1 =	sld [smem:$0x3FAF]  }
0x28: {  	s2 =	sld [smem:$0x3FB0]  }
0x29: {  	s4 =	sld [smem:$0x3FB2]  }
0x2a: {  	p0 =	seq.s32 s5, $0x0;
	s5 =	sld [smem:$0x3FB3]  }
0x2b: {  	s6 =	sld [smem:$0x3FB4]  }
0x2c: {  	s7 =	sld [smem:$0x3FB5]  }
0x2d: {  	s3 =	simm.s32 $0x108;
	s8 =	sld [smem:$0x3FB6]  }
0x2e: {  	s3 =	simm.s32 @!p0 $0x1082;
	s9 =	sld [smem:$0x3FB7]  }
0x2f: {  	lr =	sadd.s32 s0, s3;
	s0 =	sld [smem:$0x3FAE]  }
0x30: {  	s3 =	sld [smem:$0x3FB1]  }
0x31: {  	[smem:$0x3FBA] =	sst s10  }
0x32: {  	s10 =	sld [smem:$0x3FB8];
	_ =	sdelay $0x3  }
0x33: {  	p0 =	seq.s32 s10, $0x1;
	s10 =	sld [smem:$0x3FBA];
	_ =	sdelay $0x3  }
0x34: {  	[smem:$0x3FBA] =	sst s10  }
0x35: {  	s10 =	sld [smem:$0x3FB9];
	_ =	sdelay $0x3  }
0x36: {  	p1 =	seq.s32 s10, $0x1;
	s10 =	sld [smem:$0x3FBA];
	_ =	sdelay $0x3  }
0x37: {  	[smem:$0x3FBA] =	sst s10  }
0x38: {  	s10 =	sld [smem:$0x3FBB]  }
0x39: {  	_ = 	snop;
	(pc) =	sbr.ind lr, $3  }
0x3a: {  	_ = 	snop  }
0x3b: {  	_ = 	snop  }
0x3c: {  	p2 =	seq.s32 s10, $0x1;
	s10 =	sld [smem:$0x3FBA]  }
0x3d: {  	_ =	shalt  }
0x3e: {  	_ =	shalt  }
0x3f: {  	_ =	shalt  }
0x40: {  	_ =	shalt  }
0x41: {  	_ =	shalt  }
0x42: {  	_ =	shalt  }
0x43: {  	_ =	shalt  }
0x44: {  	_ =	shalt  }
0x45: {  	_ =	shalt  }
0x46: {  	_ =	shalt  }
0x47: {  	_ =	shalt  }
0x48: {  	_ =	shalt  }
0x49: {  	_ =	shalt  }
0x4a: {  	_ =	shalt  }
0x4b: {  	_ =	shalt  }
0x4c: {  	_ =	shalt  }
0x4d: {  	_ =	shalt  }
0x4e: {  	_ =	shalt  }
0x4f: {  	_ =	shalt  }
0x50: {  	_ =	shalt  }
0x51: {  	_ =	shalt  }
0x52: {  	_ =	shalt  }
0x53: {  	_ =	shalt  }
0x54: {  	_ =	shalt  }
0x55: {  	_ =	shalt  }
0x56: {  	_ =	shalt  }
0x57: {  	_ =	shalt  }
0x58: {  	_ =	shalt  }
0x59: {  	_ =	shalt  }
0x5a: {  	_ =	shalt  }
0x5b: {  	_ =	shalt  }
0x5c: {  	_ =	shalt  }
0x5d: {  	_ =	shalt  }
0x5e: {  	_ =	shalt  }
0x5f: {  	_ =	shalt  }
0x60: {  	_ =	shalt  }
0x61: {  	_ =	shalt  }
0x62: {  	_ =	shalt  }
0x63: {  	_ =	shalt  }
0x64: {  	_ =	shalt  }
0x65: {  	_ =	shalt  }
0x66: {  	_ =	shalt  }
0x67: {  	_ =	shalt  }
0x68: {  	_ =	shalt  }
0x69: {  	_ =	shalt  }
0x6a: {  	_ =	shalt  }
0x6b: {  	_ =	shalt  }
0x6c: {  	_ =	shalt  }
0x6d: {  	_ =	shalt  }
0x6e: {  	_ =	shalt  }
0x6f: {  	_ =	shalt  }
0x70: {  	_ =	shalt  }
0x71: {  	_ =	shalt  }
0x72: {  	_ =	shalt  }
0x73: {  	_ =	shalt  }
0x74: {  	_ =	shalt  }
0x75: {  	_ =	shalt  }
0x76: {  	_ =	shalt  }
0x77: {  	_ =	shalt  }
0x78: {  	_ =	shalt  }
0x79: {  	_ =	shalt  }
0x7a: {  	_ =	shalt  }
0x7b: {  	_ =	shalt  }
0x7c: {  	_ =	shalt  }
0x7d: {  	_ =	shalt  }
0x7e: {  	_ =	shalt  }
0x7f: {  	_ =	shalt  }
0x80: {  	_ =	shalt  }
0x81: {  	_ =	shalt  }
0x82: {  	_ =	shalt  }
0x83: {  	_ =	shalt  }
0x84: {  	_ =	shalt  }
0x85: {  	_ =	shalt  }
0x86: {  	_ =	shalt  }
0x87: {  	_ =	shalt  }
.Lfunc_end0:
.L_simem_size_0:
called_computation_lowered:
.L_overlay_start_0:
0x88: {  	s2 =	sld [smem:$0x3FD9]  }
0x89: {  	s3 =	sld [smem:$0x3FFE];
	_ =	sdelay $0x1  }
0x8a: {  	s1 =	srdreg.scid  }
0x8b: {  	s0 =	sand.u32 $0x1, s1  }
0x8c: {  	s17 =	sshll.u32 s0, $0xA;
	s2 =	sadd.s32 s3, s2  }
0x8d: {  	s2 =	sadd.s32 s2, s17  }
0x8e: {  	[smem:$0x3FC6] =	sst s2  }
0x8f: {  	_ = 	snop  }
0x90: {  	s2 =	sld [smem:$0x3FC9]  }
0x91: {  	s18 =	sld [smem:$0x3FC8];
	(tm) =	ssettm $0x1  }
0x92: {  	s4 =	sld [smem:$0x3FFB];
	_ =	sdelay $0x3  }
0x93: {  	_ =	strace s4  }
0x94: {  	s4 =	sld [smem:$0x3FFC];
	_ =	sdelay $0x3  }
0x95: {  	_ =	strace s4  }
0x96: {  	s4 =	sld [smem:$0x3FFD];
	_ =	sdelay $0x3  }
0x97: {  	_ =	strace s4  }
0x98: {  	_ =	strace $0x8FFFFFFF  }
0x99: {  	s19 =	sld [smem:$0x3FDB];
	_ =	sdelay $0x1  }
0x9a: {  	s5 =	simm.s32 $_scs_section_size  }
0x9b: {  	s6 =	simm.s32 $_size__tile_overlayer_lowered;
	s7 =	simm.s32 $_tile_overlayer_lowered  }
0x9c: {  	s22 =	simm.s32 $0x1BFF;
	s21 =	sshll.u32 s7, $0x1;
	s4 =	sadd.s32 s5, s19  }
0x9d: {  	s8 =	simm.s32 $0x0;
	s20 =	sshll.u32 s6, $0x1;
	s6 =	sadd.s32 s21, s4  }
0x9e: {  	[timem:s8], [sflag:s22] =	dma.local [hbm:s6], s20  }
0x9f: {  	_ =	swait.ge [sflag:s22], s20  }
0xa0: {  	s5 =	ssub.s32 $0x0, s20;
	[sflag:s22] =	ssyncset.done $0x0  }
0xa1: {  	[sflag:s22] =	ssyncadd.s32 s5;
	_ =	sdelay $0x1  }
0xa2: {  	s23 =	simm.s32 $0x1B8B  }
0xa3: {  	_ =	swait.ge [sflag:s23], $0x1  }
0xa4: {  	[sflag:s23] =	ssyncset.done $0x0  }
0xa5: {  	s25 =	simm.s32 $0x1B8E;
	s24 =	sld [smem:$0x3FFE];
	[sflag:s23] =	ssyncadd.s32 $0xFFFFFFFF  }
0xa6: {  	s26 =	simm.s32 $execute0_lowered;
	[smem:$0x3FD2] =	sst s25  }
0xa7: {  	s6 =	sshll.u32 s26, $0x1;
	_ =	strace $0x80000046;
	[dreg:$0x1] =	wrdreg $0xFFFFFFFF  }
0xa8: {  	s28 =	simm.s32 $_size_execute0_lowered;
	s4 =	sadd.s32 s4, s6;
	[dreg:$0x0] =	wrdreg $0x0  }
0xa9: {  	s6 =	sshll.u32 s28, $0x1;
	[dreg:$0x2] =	wrdreg s4  }
0xaa: {  	[dreg:$0x3] =	wrdreg s6  }
0xab: {  	[dreg:$0x4] =	wrdreg $0xC0  }
0xac: {  	_ =	task [dreg:s8], $0x5FFFF  }
0xad: {  	[dreg:$0x1] =	wrdreg $0xFFFFFFFF  }
0xae: {  	[dreg:$0x0] =	wrdreg $0x60  }
0xaf: {  	[dreg:$0x2] =	wrdreg s2  }
0xb0: {  	[dreg:$0x3] =	wrdreg s18  }
0xb1: {  	[dreg:$0x4] =	wrdreg s24  }
0xb2: {  	[dreg:$0x5] =	wrdreg $0x9  }
0xb3: {  	_ =	task.clear_ibuf [dreg:s8], $0x6FFFF;
	_ =	strace $0x90000046  }
0xb4: {  	s29 =	simm.s32 $0x9;
	_ =	strace $0x80000048  }
0xb5: {  	_ =	swait.ge [sflag:s29], $0x1  }
0xb6: {  	[sflag:s29] =	ssyncadd.s32 $0xFFFFFFFF  }
0xb7: {  	_ =	strace $0x90000048  }
0xb8: {  	_ =	sfence  }
0xb9: {  	s30 =	sld [smem:$0x0];
	_ =	sdelay $0x2  }
0xba: {  	s31 =	sshll.u32 s1, $0xD;
	s1 =	sshrl.u32 s1, $0x2  }
0xbb: {  	s3 =	sand.u32 $0x4000, s31;
	s1 =	sadd.s32 s1, s30  }
0xbc: {  	s0 =	sor.u32 s3, s0;
	s1 =	sshll.u32 s1, $0x11  }
0xbd: {  	s0 =	sor.u32 s1, s0  }
0xbe: {  	s0 =	sadd.s32 $0x8F2B, s0  }
0xbf: {  	[sflag:s0] =	ssyncadd.remote.s32 $0x1  }
0xc0: {  	_ =	sfence.sel $0xFFFF  }
0xc1: {  	[dreg:$0x0] =	wrdreg $0xFFFFFFFF;
	(pc) =	sbr.abs _section_cstart, $3  }
0xc2: {  	[dreg:$0x1] =	wrdreg $0xFFFFFFFF  }
0xc3: {  	_ =	task.clear_ibuf [dreg:s8], $0x2FFFF;
	_ =	strace $0x9FFFFFFF  }
0xc4: {  	(tm) =	ssettm $0x7FFFFFFF  }
0xc5: {  	_ =	shalt  }
tec
execute0_lowered:
.L_overlay_start_1:
0x0: {  	(tag) =	ssettag $0x1  }
0x1: {  	s4 =	rddreg [dreg:$0x0]  }
0x2: {  	s3 =	rddreg [dreg:$0x1]  }
0x3: {  	s5 =	rddreg [dreg:$0x2];
	s2 =	srdreg.scid  }
0x4: {  	s0 =	rddreg [dreg:$0x3];
	s1 =	stileid.u32;
	s10 =	simm.s32 $0x20000  }
0x5: {  	s11 =	simm.s32 $0x1F500;
	s12 =	simm.s32 $0x0;
	s6 =	sand.u32 $0x1, s2  }
0x6: {  	s2 =	simm.s32 $0x0;
	s7 =	sshll.u32 s1, $0x9;
	s8 =	sshll.u32 s6, $0x8  }
0x7: {  	[smem:$0x7FF] =	sst s2;
	s6 =	ssub.s32 $0x2, s6;
	s7 =	sor.u32 s8, s7  }
0x8: {  	_ =	strace $0x80000047;
	s9 =	sshrl.u32 s6, $0x1;
	s8 =	sshrl.u32 s7, $0x3  }
0x9: {  	s6 =	ssub.s32 s6, s9;
	s4 =	sadd.s32 s4, s7;
	s7 =	simm.s32 $0x1F400  }
0xa: {  	v0 =	vlaneseq.u32;
	s9 =	simm.s32 $0x400;
	s5 =	sadd.s32 s8, s5;
	s3 =	sadd.s32 s3, s8  }
0xb: {  	v1 =	vimm.f32 $-1.000000000e+07;
	v2 =	vor.u32 $0x10, v0;
	v3 =	vor.u32 $0x20, v0;
	s6 =	smax.u32 s6, $0x1;
	s8 =	simm.s32 $0x1;
	s5 =	sadd.s32 $0x600, s5  }
.LBB2_1:
0xc: {  	[tilespmem:s7], [sflag:$0x1] =	stream.linear.gather [hbm4b:s3+s2], $0x100, $0x38;
	[tilespmem:$0x1F600] =	vst v63  }
0xd: {  	_ =	swait.ge [sflag:s8], $0x100  }
0xe: {  	[sflag:s8] =	ssyncset.done $0x0  }
0xf: {  	p1 =	por $0x1, $0x1;
	s13 =	simm.s32 $0x0;
	[sflag:s8] =	ssyncadd.s32 $0xFFFFFF00  }
.LBB2_2:
0x10: {  	s14 =	sadd.s32 s13, s4  }
0x11: {  	[tilespmem:s2], [sflag:$0x1] =	stream.strided.gather [hbm4b:s14+s9], $0x1F400, s10, s9, $0x38;
	[tilespmem:$0x1F600] =	vst v63  }
0x12: {  	_ =	swait.ge [sflag:s8], $0x1F400  }
0x13: {  	[sflag:s8] =	ssyncset.done $0x0  }
0x14: {  	[sflag:s8] =	ssyncadd.s32 $0xFFFE0C00  }
0x15: {  	v4 =	vld [tilespmem:s13+$0x1F400];
	_ =	sdelay $0x4  }
0x16: {  	v4 =	vshll.u32 v4, $0x7  }
0x17: {  	v5 =	vor.u32 v0, v4;
	_ =	sdelay $0x4  }
0x18: {  	s31 =	simm.s32 $0x80;
	v4 =	vld.idx.msk [tilespmem:v5+s2+$0x0], $0xffff;
	[tilespmem:v5+s2+$0x0] =	vst.idx.msk $0xffff, v1  }
0x19: {  	v5 =	vld [tilespmem:s31+$0xFFFFFF80]  }
0x1a: {  	v6 =	vld [tilespmem:s31+$0x0];
	_ =	sdelay $0x1  }
0x1b: {  	s15 =	simm.s32 $0x180  }
0x1c: {  	v14 =	vimm.f32 $-Inf;
	v11 =	vld [tilespmem:s15+$0xFFFFFF80]  }
0x1d: {  	v8 =	vmax.f32 v14, v5;
	v5 =	vmin.f32 v14, v5  }
0x1e: {  	v15 =	vmax.f32 v8, v6;
	v7 =	vmax.f32 v14, v5;
	v5 =	vmin.f32 v14, v5  }
0x1f: {  	v9 =	vmin.f32 v8, v6;
	v6 =	vmax.f32 v14, v5;
	v5 =	vmin.f32 v14, v5  }
0x20: {  	v12 =	vmax.f32 v14, v5;
	v16 =	vmin.f32 v14, v5;
	v5 =	vld [tilespmem:s15+$0x0]  }
0x21: {  	v8 =	vmin.f32 v7, v9;
	v10 =	vmax.f32 v15, v11  }
0x22: {  	p0 =	por p1, p1;
	s14 =	simm.s32 $0x2;
	v11 =	vmin.f32 v15, v11;
	v13 =	vmin.f32 v6, v8;
	s15 =	simm.s32 $0x280;
	v14 =	vmax.f32 v14, v16  }
.LBB2_3:
0x23: {  	s14 =	sadd.s32 $0x2, s14  }
0x24: {  	v15 =	vld [tilespmem:s15+$0xFFFFFF80];
	v9 =	vmax.f32 v7, v9;
	v16 =	vmax.f32 v12, v13;
	v7 =	vmin.f32 v12, v13;
	p1 =	slt.u32 s14, $0x3E6  }
.Ltmp0:
0x25: {  	v8 =	vmax.f32 v6, v8;
	v17 =	vmax.f32 v10, v5;
	v14 =	vmax.f32 v14, v7;
	(pc) =	sbr.rel @p1 .LBB2_3-.Ltmp0, $4  }
0x26: {  	v7 =	vmax.f32 v9, v11;
	v11 =	vmin.f32 v9, v11;
	v9 =	vmin.f32 v10, v5;
	v5 =	vld [tilespmem:s15+$0x0]  }
0x27: {  	v6 =	vmax.f32 v8, v11;
	v10 =	vmin.f32 v8, v11;
	v8 =	vmin.f32 v7, v9  }
0x28: {  	v12 =	vmax.f32 v16, v10;
	v16 =	vmin.f32 v16, v10;
	v13 =	vmin.f32 v6, v8  }
0x29: {  	s15 =	sadd.s32 $0x100, s15;
	v14 =	vmax.f32 v14, v16;
	v10 =	vmax.f32 v17, v15;
	v11 =	vmin.f32 v17, v15  }
0x2a: {  	v7 =	vmax.f32 v7, v9;
	v9 =	vmax.f32 v12, v13  }
0x2b: {  	v12 =	vmin.f32 v12, v13;
	v6 =	vmax.f32 v6, v8;
	v4 =	vadd.f32 $1.000000000e+00, v4  }
0x2c: {  	v8 =	vmax.f32 v14, v12;
	v12 =	vmax.f32 v7, v11;
	v7 =	vmin.f32 v7, v11  }
0x2d: {  	v13 =	vmax.f32 v10, v5;
	v5 =	vmin.f32 v10, v5;
	v10 =	vmax.f32 v6, v7  }
0x2e: {  	v6 =	vmin.f32 v6, v7;
	v7 =	vmin.f32 v12, v5;
	v5 =	vmax.f32 v12, v5  }
0x2f: {  	v12 =	vsub.f32 v4, v13;
	v11 =	vmax.f32 v9, v6;
	v5 =	vsub.f32 v4, v5  }
0x30: {  	v6 =	vmin.f32 v9, v6;
	v9 =	vmin.f32 v10, v7;
	v7 =	vmax.f32 v10, v7  }
0x31: {  	v10 =	vmax.f32 v12, $0.0e+00;
	v7 =	vsub.f32 v4, v7;
	v5 =	vmax.f32 v5, $0.0e+00  }
0x32: {  	v6 =	vmax.f32 v8, v6;
	v8 =	vmax.f32 v11, v9;
	v5 =	vadd.f32 v5, v10  }
0x33: {  	v9 =	vmin.f32 v11, v9;
	v8 =	vsub.f32 v4, v8;
	v7 =	vmax.f32 v7, $0.0e+00  }
0x34: {  	v6 =	vmax.f32 v6, v9;
	v5 =	vadd.f32 v7, v5  }
0x35: {  	v4 =	vsub.f32 v4, v6;
	v7 =	vmax.f32 v8, $0.0e+00  }
0x36: {  	v5 =	vadd.f32 v7, v5  }
0x37: {  	v4 =	vmax.f32 v4, $0.0e+00  }
0x38: {  	v4 =	vadd.f32 v4, v5;
	_ =	sdelay $0x1  }
0x39: {  	[tilespmem:s13+$0x1F500] =	vst v4;
	v4 =	vld [tilespmem:s13+$0x1F410];
	_ =	sdelay $0x4  }
0x3a: {  	v4 =	vshll.u32 v4, $0x7  }
0x3b: {  	v5 =	vor.u32 v2, v4;
	_ =	sdelay $0x4  }
0x3c: {  	s14 =	simm.s32 $0x90;
	v4 =	vld.idx.msk [tilespmem:v5+s2+$0x0], $0xffff;
	[tilespmem:v5+s2+$0x0] =	vst.idx.msk $0xffff, v1  }
0x3d: {  	v5 =	vld [tilespmem:s14+$0xFFFFFF80]  }
0x3e: {  	v6 =	vld [tilespmem:s14+$0x0];
	_ =	sdelay $0x1  }
0x3f: {  	s16 =	simm.s32 $0x190  }
0x40: {  	v14 =	vimm.f32 $-Inf;
	v11 =	vld [tilespmem:s16+$0xFFFFFF80]  }
0x41: {  	v8 =	vmax.f32 v14, v5;
	v5 =	vmin.f32 v14, v5  }
0x42: {  	v15 =	vmax.f32 v8, v6;
	v7 =	vmax.f32 v14, v5;
	v5 =	vmin.f32 v14, v5  }
0x43: {  	v9 =	vmin.f32 v8, v6;
	v6 =	vmax.f32 v14, v5;
	v5 =	vmin.f32 v14, v5  }
0x44: {  	v12 =	vmax.f32 v14, v5;
	v16 =	vmin.f32 v14, v5;
	v5 =	vld [tilespmem:s16+$0x0]  }
0x45: {  	v8 =	vmin.f32 v7, v9;
	v10 =	vmax.f32 v15, v11  }
0x46: {  	s15 =	simm.s32 $0x2;
	s14 =	sor.u32 $0x10, s13;
	v11 =	vmin.f32 v15, v11;
	v13 =	vmin.f32 v6, v8;
	s16 =	simm.s32 $0x290;
	v14 =	vmax.f32 v14, v16  }
.LBB2_5:
0x47: {  	s15 =	sadd.s32 $0x2, s15  }
0x48: {  	v15 =	vld [tilespmem:s16+$0xFFFFFF80];
	v9 =	vmax.f32 v7, v9;
	v16 =	vmax.f32 v12, v13;
	v7 =	vmin.f32 v12, v13;
	p1 =	slt.u32 s15, $0x3E6  }
.Ltmp1:
0x49: {  	v8 =	vmax.f32 v6, v8;
	v17 =	vmax.f32 v10, v5;
	v14 =	vmax.f32 v14, v7;
	(pc) =	sbr.rel @p1 .LBB2_5-.Ltmp1, $4  }
0x4a: {  	v7 =	vmax.f32 v9, v11;
	v11 =	vmin.f32 v9, v11;
	v9 =	vmin.f32 v10, v5;
	v5 =	vld [tilespmem:s16+$0x0]  }
0x4b: {  	v6 =	vmax.f32 v8, v11;
	v10 =	vmin.f32 v8, v11;
	v8 =	vmin.f32 v7, v9  }
0x4c: {  	v12 =	vmax.f32 v16, v10;
	v16 =	vmin.f32 v16, v10;
	v13 =	vmin.f32 v6, v8  }
0x4d: {  	s16 =	sadd.s32 $0x100, s16;
	v14 =	vmax.f32 v14, v16;
	v10 =	vmax.f32 v17, v15;
	v11 =	vmin.f32 v17, v15  }
0x4e: {  	v7 =	vmax.f32 v7, v9;
	v9 =	vmax.f32 v12, v13  }
0x4f: {  	v12 =	vmin.f32 v12, v13;
	v6 =	vmax.f32 v6, v8;
	v4 =	vadd.f32 $1.000000000e+00, v4  }
0x50: {  	v8 =	vmax.f32 v14, v12;
	v12 =	vmax.f32 v7, v11;
	v7 =	vmin.f32 v7, v11  }
0x51: {  	v13 =	vmax.f32 v10, v5;
	v5 =	vmin.f32 v10, v5;
	v10 =	vmax.f32 v6, v7  }
0x52: {  	v6 =	vmin.f32 v6, v7;
	v7 =	vmin.f32 v12, v5;
	v5 =	vmax.f32 v12, v5  }
0x53: {  	v12 =	vsub.f32 v4, v13;
	v11 =	vmax.f32 v9, v6;
	v5 =	vsub.f32 v4, v5  }
0x54: {  	v6 =	vmin.f32 v9, v6;
	v9 =	vmin.f32 v10, v7;
	v7 =	vmax.f32 v10, v7  }
0x55: {  	v10 =	vmax.f32 v12, $0.0e+00;
	v7 =	vsub.f32 v4, v7;
	v5 =	vmax.f32 v5, $0.0e+00  }
0x56: {  	v6 =	vmax.f32 v8, v6;
	v8 =	vmax.f32 v11, v9;
	v5 =	vadd.f32 v5, v10  }
0x57: {  	v9 =	vmin.f32 v11, v9;
	v8 =	vsub.f32 v4, v8;
	v7 =	vmax.f32 v7, $0.0e+00  }
0x58: {  	v6 =	vmax.f32 v6, v9;
	v5 =	vadd.f32 v7, v5  }
0x59: {  	v4 =	vsub.f32 v4, v6;
	v7 =	vmax.f32 v8, $0.0e+00  }
0x5a: {  	v5 =	vadd.f32 v7, v5  }
0x5b: {  	v4 =	vmax.f32 v4, $0.0e+00  }
0x5c: {  	v4 =	vadd.f32 v4, v5;
	_ =	sdelay $0x1  }
0x5d: {  	[tilespmem:s14+$0x1F500] =	vst v4  }
0x5e: {  	v4 =	vld [tilespmem:s13+$0x1F420];
	_ =	sdelay $0x4  }
0x5f: {  	v4 =	vshll.u32 v4, $0x7  }
0x60: {  	v5 =	vor.u32 v3, v4;
	_ =	sdelay $0x4  }
0x61: {  	s31 =	simm.s32 $0xA0;
	v4 =	vld.idx.msk [tilespmem:v5+s2+$0x0], $0xffff;
	[tilespmem:v5+s2+$0x0] =	vst.idx.msk $0xffff, v1  }
0x62: {  	v5 =	vld [tilespmem:s31+$0xFFFFFF80]  }
0x63: {  	v6 =	vld [tilespmem:s31+$0x0];
	_ =	sdelay $0x1  }
0x64: {  	s16 =	simm.s32 $0x1A0  }
0x65: {  	v14 =	vimm.f32 $-Inf;
	v11 =	vld [tilespmem:s16+$0xFFFFFF80]  }
0x66: {  	v8 =	vmax.f32 v14, v5;
	v5 =	vmin.f32 v14, v5  }
0x67: {  	v15 =	vmax.f32 v8, v6;
	v7 =	vmax.f32 v14, v5;
	v5 =	vmin.f32 v14, v5  }
0x68: {  	v9 =	vmin.f32 v8, v6;
	v6 =	vmax.f32 v14, v5;
	v5 =	vmin.f32 v14, v5  }
0x69: {  	v12 =	vmax.f32 v14, v5;
	v16 =	vmin.f32 v14, v5;
	v5 =	vld [tilespmem:s16+$0x0]  }
0x6a: {  	v8 =	vmin.f32 v7, v9;
	v10 =	vmax.f32 v15, v11  }
0x6b: {  	s15 =	simm.s32 $0x2;
	s14 =	sor.u32 $0x20, s13;
	v11 =	vmin.f32 v15, v11;
	v13 =	vmin.f32 v6, v8;
	s16 =	simm.s32 $0x2A0;
	v14 =	vmax.f32 v14, v16  }
.LBB2_7:
0x6c: {  	s15 =	sadd.s32 $0x2, s15  }
0x6d: {  	v15 =	vld [tilespmem:s16+$0xFFFFFF80];
	v9 =	vmax.f32 v7, v9;
	v16 =	vmax.f32 v12, v13;
	v7 =	vmin.f32 v12, v13;
	p1 =	slt.u32 s15, $0x3E6  }
.Ltmp2:
0x6e: {  	v8 =	vmax.f32 v6, v8;
	v17 =	vmax.f32 v10, v5;
	v14 =	vmax.f32 v14, v7;
	(pc) =	sbr.rel @p1 .LBB2_7-.Ltmp2, $4  }
0x6f: {  	v7 =	vmax.f32 v9, v11;
	v11 =	vmin.f32 v9, v11;
	v9 =	vmin.f32 v10, v5;
	v5 =	vld [tilespmem:s16+$0x0]  }
0x70: {  	v6 =	vmax.f32 v8, v11;
	v10 =	vmin.f32 v8, v11;
	v8 =	vmin.f32 v7, v9  }
0x71: {  	v12 =	vmax.f32 v16, v10;
	v16 =	vmin.f32 v16, v10;
	v13 =	vmin.f32 v6, v8  }
0x72: {  	s16 =	sadd.s32 $0x100, s16;
	v14 =	vmax.f32 v14, v16;
	v10 =	vmax.f32 v17, v15;
	v11 =	vmin.f32 v17, v15  }
0x73: {  	v7 =	vmax.f32 v7, v9;
	v9 =	vmax.f32 v12, v13  }
0x74: {  	v12 =	vmin.f32 v12, v13;
	v6 =	vmax.f32 v6, v8;
	v4 =	vadd.f32 $1.000000000e+00, v4  }
0x75: {  	v8 =	vmax.f32 v14, v12;
	v12 =	vmax.f32 v7, v11;
	v7 =	vmin.f32 v7, v11  }
0x76: {  	v13 =	vmax.f32 v10, v5;
	v5 =	vmin.f32 v10, v5;
	v10 =	vmax.f32 v6, v7  }
0x77: {  	v6 =	vmin.f32 v6, v7;
	v7 =	vmin.f32 v12, v5;
	v5 =	vmax.f32 v12, v5  }
0x78: {  	v12 =	vsub.f32 v4, v13;
	v11 =	vmax.f32 v9, v6;
	v5 =	vsub.f32 v4, v5  }
0x79: {  	v6 =	vmin.f32 v9, v6;
	v9 =	vmin.f32 v10, v7;
	v7 =	vmax.f32 v10, v7  }
0x7a: {  	v10 =	vmax.f32 v12, $0.0e+00;
	v7 =	vsub.f32 v4, v7;
	v5 =	vmax.f32 v5, $0.0e+00  }
0x7b: {  	v6 =	vmax.f32 v8, v6;
	v8 =	vmax.f32 v11, v9;
	v5 =	vadd.f32 v5, v10  }
0x7c: {  	v9 =	vmin.f32 v11, v9;
	v8 =	vsub.f32 v4, v8;
	v7 =	vmax.f32 v7, $0.0e+00  }
0x7d: {  	v6 =	vmax.f32 v6, v9;
	v5 =	vadd.f32 v7, v5  }
0x7e: {  	v4 =	vsub.f32 v4, v6;
	v7 =	vmax.f32 v8, $0.0e+00  }
0x7f: {  	v5 =	vadd.f32 v7, v5  }
0x80: {  	v4 =	vmax.f32 v4, $0.0e+00  }
0x81: {  	v4 =	vadd.f32 v4, v5;
	_ =	sdelay $0x1  }
0x82: {  	[tilespmem:s14+$0x1F500] =	vst v4  }
0x83: {  	v4 =	vld [tilespmem:s13+$0x1F430];
	_ =	sdelay $0x4  }
0x84: {  	v5 =	vor.u32 $0x30, v0;
	v4 =	vshll.u32 v4, $0x7  }
0x85: {  	v5 =	vor.u32 v5, v4;
	_ =	sdelay $0x4  }
0x86: {  	s31 =	simm.s32 $0xB0;
	v4 =	vld.idx.msk [tilespmem:v5+s2+$0x0], $0xffff;
	[tilespmem:v5+s2+$0x0] =	vst.idx.msk $0xffff, v1  }
0x87: {  	v5 =	vld [tilespmem:s31+$0xFFFFFF80]  }
0x88: {  	v6 =	vld [tilespmem:s31+$0x0];
	_ =	sdelay $0x1  }
0x89: {  	s16 =	simm.s32 $0x1B0  }
0x8a: {  	v14 =	vimm.f32 $-Inf;
	v11 =	vld [tilespmem:s16+$0xFFFFFF80]  }
0x8b: {  	v8 =	vmax.f32 v14, v5;
	v5 =	vmin.f32 v14, v5  }
0x8c: {  	v15 =	vmax.f32 v8, v6;
	v7 =	vmax.f32 v14, v5;
	v5 =	vmin.f32 v14, v5  }
0x8d: {  	v9 =	vmin.f32 v8, v6;
	v6 =	vmax.f32 v14, v5;
	v5 =	vmin.f32 v14, v5  }
0x8e: {  	v12 =	vmax.f32 v14, v5;
	v16 =	vmin.f32 v14, v5;
	v5 =	vld [tilespmem:s16+$0x0]  }
0x8f: {  	v8 =	vmin.f32 v7, v9;
	v10 =	vmax.f32 v15, v11  }
0x90: {  	s15 =	simm.s32 $0x2;
	s14 =	sor.u32 $0x30, s13;
	v11 =	vmin.f32 v15, v11;
	v13 =	vmin.f32 v6, v8;
	s16 =	simm.s32 $0x2B0;
	v14 =	vmax.f32 v14, v16  }
.LBB2_9:
0x91: {  	s15 =	sadd.s32 $0x2, s15  }
0x92: {  	v15 =	vld [tilespmem:s16+$0xFFFFFF80];
	v9 =	vmax.f32 v7, v9;
	v16 =	vmax.f32 v12, v13;
	v7 =	vmin.f32 v12, v13;
	p1 =	slt.u32 s15, $0x3E6  }
.Ltmp3:
0x93: {  	v8 =	vmax.f32 v6, v8;
	v17 =	vmax.f32 v10, v5;
	v14 =	vmax.f32 v14, v7;
	(pc) =	sbr.rel @p1 .LBB2_9-.Ltmp3, $4  }
0x94: {  	v7 =	vmax.f32 v9, v11;
	v11 =	vmin.f32 v9, v11;
	v9 =	vmin.f32 v10, v5;
	v5 =	vld [tilespmem:s16+$0x0]  }
0x95: {  	v6 =	vmax.f32 v8, v11;
	v10 =	vmin.f32 v8, v11;
	v8 =	vmin.f32 v7, v9  }
0x96: {  	v12 =	vmax.f32 v16, v10;
	v16 =	vmin.f32 v16, v10;
	v13 =	vmin.f32 v6, v8  }
0x97: {  	s16 =	sadd.s32 $0x100, s16;
	v14 =	vmax.f32 v14, v16;
	v10 =	vmax.f32 v17, v15;
	v11 =	vmin.f32 v17, v15  }
0x98: {  	v7 =	vmax.f32 v7, v9;
	v9 =	vmax.f32 v12, v13  }
0x99: {  	v12 =	vmin.f32 v12, v13;
	v6 =	vmax.f32 v6, v8;
	v4 =	vadd.f32 $1.000000000e+00, v4  }
0x9a: {  	v8 =	vmax.f32 v14, v12;
	v12 =	vmax.f32 v7, v11;
	v7 =	vmin.f32 v7, v11  }
0x9b: {  	v13 =	vmax.f32 v10, v5;
	v5 =	vmin.f32 v10, v5;
	v10 =	vmax.f32 v6, v7  }
0x9c: {  	v6 =	vmin.f32 v6, v7;
	v7 =	vmin.f32 v12, v5;
	v5 =	vmax.f32 v12, v5  }
0x9d: {  	v12 =	vsub.f32 v4, v13;
	v11 =	vmax.f32 v9, v6;
	v5 =	vsub.f32 v4, v5  }
0x9e: {  	v6 =	vmin.f32 v9, v6;
	v9 =	vmin.f32 v10, v7;
	v7 =	vmax.f32 v10, v7  }
0x9f: {  	v10 =	vmax.f32 v12, $0.0e+00;
	v7 =	vsub.f32 v4, v7;
	v5 =	vmax.f32 v5, $0.0e+00  }
0xa0: {  	v6 =	vmax.f32 v8, v6;
	v8 =	vmax.f32 v11, v9;
	v5 =	vadd.f32 v5, v10  }
0xa1: {  	v9 =	vmin.f32 v11, v9;
	v8 =	vsub.f32 v4, v8;
	v7 =	vmax.f32 v7, $0.0e+00  }
0xa2: {  	v6 =	vmax.f32 v6, v9;
	v5 =	vadd.f32 v7, v5  }
0xa3: {  	v4 =	vsub.f32 v4, v6;
	v7 =	vmax.f32 v8, $0.0e+00  }
0xa4: {  	v5 =	vadd.f32 v7, v5  }
0xa5: {  	v4 =	vmax.f32 v4, $0.0e+00  }
0xa6: {  	v4 =	vadd.f32 v4, v5;
	_ =	sdelay $0x1  }
0xa7: {  	[tilespmem:s14+$0x1F500] =	vst v4  }
0xa8: {  	v4 =	vld [tilespmem:s13+$0x1F440];
	_ =	sdelay $0x4  }
0xa9: {  	v5 =	vor.u32 $0x40, v0;
	v4 =	vshll.u32 v4, $0x7  }
0xaa: {  	v5 =	vor.u32 v5, v4;
	_ =	sdelay $0x4  }
0xab: {  	s31 =	simm.s32 $0xC0;
	v4 =	vld.idx.msk [tilespmem:v5+s2+$0x0], $0xffff;
	[tilespmem:v5+s2+$0x0] =	vst.idx.msk $0xffff, v1  }
0xac: {  	v5 =	vld [tilespmem:s31+$0xFFFFFF80]  }
0xad: {  	v6 =	vld [tilespmem:s31+$0x0];
	_ =	sdelay $0x1  }
0xae: {  	s16 =	simm.s32 $0x1C0  }
0xaf: {  	v14 =	vimm.f32 $-Inf;
	v11 =	vld [tilespmem:s16+$0xFFFFFF80]  }
0xb0: {  	v8 =	vmax.f32 v14, v5;
	v5 =	vmin.f32 v14, v5  }
0xb1: {  	v15 =	vmax.f32 v8, v6;
	v7 =	vmax.f32 v14, v5;
	v5 =	vmin.f32 v14, v5  }
0xb2: {  	v9 =	vmin.f32 v8, v6;
	v6 =	vmax.f32 v14, v5;
	v5 =	vmin.f32 v14, v5  }
0xb3: {  	v12 =	vmax.f32 v14, v5;
	v16 =	vmin.f32 v14, v5;
	v5 =	vld [tilespmem:s16+$0x0]  }
0xb4: {  	v8 =	vmin.f32 v7, v9;
	v10 =	vmax.f32 v15, v11  }
0xb5: {  	s15 =	simm.s32 $0x2;
	s14 =	sor.u32 $0x40, s13;
	v11 =	vmin.f32 v15, v11;
	v13 =	vmin.f32 v6, v8;
	s16 =	simm.s32 $0x2C0;
	v14 =	vmax.f32 v14, v16  }
.LBB2_11:
0xb6: {  	s15 =	sadd.s32 $0x2, s15  }
0xb7: {  	v15 =	vld [tilespmem:s16+$0xFFFFFF80];
	v9 =	vmax.f32 v7, v9;
	v16 =	vmax.f32 v12, v13;
	v7 =	vmin.f32 v12, v13;
	p1 =	slt.u32 s15, $0x3E6  }
.Ltmp4:
0xb8: {  	v8 =	vmax.f32 v6, v8;
	v17 =	vmax.f32 v10, v5;
	v14 =	vmax.f32 v14, v7;
	(pc) =	sbr.rel @p1 .LBB2_11-.Ltmp4, $4  }
0xb9: {  	v7 =	vmax.f32 v9, v11;
	v11 =	vmin.f32 v9, v11;
	v9 =	vmin.f32 v10, v5;
	v5 =	vld [tilespmem:s16+$0x0]  }
0xba: {  	v6 =	vmax.f32 v8, v11;
	v10 =	vmin.f32 v8, v11;
	v8 =	vmin.f32 v7, v9  }
0xbb: {  	v12 =	vmax.f32 v16, v10;
	v16 =	vmin.f32 v16, v10;
	v13 =	vmin.f32 v6, v8  }
0xbc: {  	s16 =	sadd.s32 $0x100, s16;
	v14 =	vmax.f32 v14, v16;
	v10 =	vmax.f32 v17, v15;
	v11 =	vmin.f32 v17, v15  }
0xbd: {  	v7 =	vmax.f32 v7, v9;
	v9 =	vmax.f32 v12, v13  }
0xbe: {  	v12 =	vmin.f32 v12, v13;
	v6 =	vmax.f32 v6, v8;
	v4 =	vadd.f32 $1.000000000e+00, v4  }
0xbf: {  	v8 =	vmax.f32 v14, v12;
	v12 =	vmax.f32 v7, v11;
	v7 =	vmin.f32 v7, v11  }
0xc0: {  	v13 =	vmax.f32 v10, v5;
	v5 =	vmin.f32 v10, v5;
	v10 =	vmax.f32 v6, v7  }
0xc1: {  	v6 =	vmin.f32 v6, v7;
	v7 =	vmin.f32 v12, v5;
	v5 =	vmax.f32 v12, v5  }
0xc2: {  	v12 =	vsub.f32 v4, v13;
	v11 =	vmax.f32 v9, v6;
	v5 =	vsub.f32 v4, v5  }
0xc3: {  	v6 =	vmin.f32 v9, v6;
	v9 =	vmin.f32 v10, v7;
	v7 =	vmax.f32 v10, v7  }
0xc4: {  	v10 =	vmax.f32 v12, $0.0e+00;
	v7 =	vsub.f32 v4, v7;
	v5 =	vmax.f32 v5, $0.0e+00  }
0xc5: {  	v6 =	vmax.f32 v8, v6;
	v8 =	vmax.f32 v11, v9;
	v5 =	vadd.f32 v5, v10  }
0xc6: {  	v9 =	vmin.f32 v11, v9;
	v8 =	vsub.f32 v4, v8;
	v7 =	vmax.f32 v7, $0.0e+00  }
0xc7: {  	v6 =	vmax.f32 v6, v9;
	v5 =	vadd.f32 v7, v5  }
0xc8: {  	v4 =	vsub.f32 v4, v6;
	v7 =	vmax.f32 v8, $0.0e+00  }
0xc9: {  	v5 =	vadd.f32 v7, v5  }
0xca: {  	v4 =	vmax.f32 v4, $0.0e+00  }
0xcb: {  	v4 =	vadd.f32 v4, v5;
	_ =	sdelay $0x1  }
0xcc: {  	[tilespmem:s14+$0x1F500] =	vst v4  }
0xcd: {  	v4 =	vld [tilespmem:s13+$0x1F450];
	_ =	sdelay $0x4  }
0xce: {  	v5 =	vor.u32 $0x50, v0;
	v4 =	vshll.u32 v4, $0x7  }
0xcf: {  	v5 =	vor.u32 v5, v4;
	_ =	sdelay $0x4  }
0xd0: {  	s31 =	simm.s32 $0xD0;
	v4 =	vld.idx.msk [tilespmem:v5+s2+$0x0], $0xffff;
	[tilespmem:v5+s2+$0x0] =	vst.idx.msk $0xffff, v1  }
0xd1: {  	v5 =	vld [tilespmem:s31+$0xFFFFFF80]  }
0xd2: {  	v6 =	vld [tilespmem:s31+$0x0];
	_ =	sdelay $0x1  }
0xd3: {  	s16 =	simm.s32 $0x1D0  }
0xd4: {  	v14 =	vimm.f32 $-Inf;
	v11 =	vld [tilespmem:s16+$0xFFFFFF80]  }
0xd5: {  	v8 =	vmax.f32 v14, v5;
	v5 =	vmin.f32 v14, v5  }
0xd6: {  	v15 =	vmax.f32 v8, v6;
	v7 =	vmax.f32 v14, v5;
	v5 =	vmin.f32 v14, v5  }
0xd7: {  	v9 =	vmin.f32 v8, v6;
	v6 =	vmax.f32 v14, v5;
	v5 =	vmin.f32 v14, v5  }
0xd8: {  	v12 =	vmax.f32 v14, v5;
	v16 =	vmin.f32 v14, v5;
	v5 =	vld [tilespmem:s16+$0x0]  }
0xd9: {  	v8 =	vmin.f32 v7, v9;
	v10 =	vmax.f32 v15, v11  }
0xda: {  	s15 =	simm.s32 $0x2;
	s14 =	sor.u32 $0x50, s13;
	v11 =	vmin.f32 v15, v11;
	v13 =	vmin.f32 v6, v8;
	s16 =	simm.s32 $0x2D0;
	v14 =	vmax.f32 v14, v16  }
.LBB2_13:
0xdb: {  	s15 =	sadd.s32 $0x2, s15  }
0xdc: {  	v15 =	vld [tilespmem:s16+$0xFFFFFF80];
	v9 =	vmax.f32 v7, v9;
	v16 =	vmax.f32 v12, v13;
	v7 =	vmin.f32 v12, v13;
	p1 =	slt.u32 s15, $0x3E6  }
.Ltmp5:
0xdd: {  	v8 =	vmax.f32 v6, v8;
	v17 =	vmax.f32 v10, v5;
	v14 =	vmax.f32 v14, v7;
	(pc) =	sbr.rel @p1 .LBB2_13-.Ltmp5, $4  }
0xde: {  	v7 =	vmax.f32 v9, v11;
	v11 =	vmin.f32 v9, v11;
	v9 =	vmin.f32 v10, v5;
	v5 =	vld [tilespmem:s16+$0x0]  }
0xdf: {  	v6 =	vmax.f32 v8, v11;
	v10 =	vmin.f32 v8, v11;
	v8 =	vmin.f32 v7, v9  }
0xe0: {  	v12 =	vmax.f32 v16, v10;
	v16 =	vmin.f32 v16, v10;
	v13 =	vmin.f32 v6, v8  }
0xe1: {  	s16 =	sadd.s32 $0x100, s16;
	v14 =	vmax.f32 v14, v16;
	v10 =	vmax.f32 v17, v15;
	v11 =	vmin.f32 v17, v15  }
0xe2: {  	v7 =	vmax.f32 v7, v9;
	v9 =	vmax.f32 v12, v13  }
0xe3: {  	v12 =	vmin.f32 v12, v13;
	v6 =	vmax.f32 v6, v8;
	v4 =	vadd.f32 $1.000000000e+00, v4  }
0xe4: {  	v8 =	vmax.f32 v14, v12;
	v12 =	vmax.f32 v7, v11;
	v7 =	vmin.f32 v7, v11  }
0xe5: {  	v13 =	vmax.f32 v10, v5;
	v5 =	vmin.f32 v10, v5;
	v10 =	vmax.f32 v6, v7  }
0xe6: {  	v6 =	vmin.f32 v6, v7;
	v7 =	vmin.f32 v12, v5;
	v5 =	vmax.f32 v12, v5  }
0xe7: {  	v12 =	vsub.f32 v4, v13;
	v11 =	vmax.f32 v9, v6;
	v5 =	vsub.f32 v4, v5  }
0xe8: {  	v6 =	vmin.f32 v9, v6;
	v9 =	vmin.f32 v10, v7;
	v7 =	vmax.f32 v10, v7  }
0xe9: {  	v10 =	vmax.f32 v12, $0.0e+00;
	v7 =	vsub.f32 v4, v7;
	v5 =	vmax.f32 v5, $0.0e+00  }
0xea: {  	v6 =	vmax.f32 v8, v6;
	v8 =	vmax.f32 v11, v9;
	v5 =	vadd.f32 v5, v10  }
0xeb: {  	v9 =	vmin.f32 v11, v9;
	v8 =	vsub.f32 v4, v8;
	v7 =	vmax.f32 v7, $0.0e+00  }
0xec: {  	v6 =	vmax.f32 v6, v9;
	v5 =	vadd.f32 v7, v5  }
0xed: {  	v4 =	vsub.f32 v4, v6;
	v7 =	vmax.f32 v8, $0.0e+00  }
0xee: {  	v5 =	vadd.f32 v7, v5  }
0xef: {  	v4 =	vmax.f32 v4, $0.0e+00  }
0xf0: {  	v4 =	vadd.f32 v4, v5;
	_ =	sdelay $0x1  }
0xf1: {  	[tilespmem:s14+$0x1F500] =	vst v4  }
0xf2: {  	v4 =	vld [tilespmem:s13+$0x1F460];
	_ =	sdelay $0x4  }
0xf3: {  	v5 =	vor.u32 $0x60, v0;
	v4 =	vshll.u32 v4, $0x7  }
0xf4: {  	v5 =	vor.u32 v5, v4;
	_ =	sdelay $0x4  }
0xf5: {  	s31 =	simm.s32 $0xE0;
	v4 =	vld.idx.msk [tilespmem:v5+s2+$0x0], $0xffff;
	[tilespmem:v5+s2+$0x0] =	vst.idx.msk $0xffff, v1  }
0xf6: {  	v5 =	vld [tilespmem:s31+$0xFFFFFF80]  }
0xf7: {  	v6 =	vld [tilespmem:s31+$0x0];
	_ =	sdelay $0x1  }
0xf8: {  	s16 =	simm.s32 $0x1E0  }
0xf9: {  	v14 =	vimm.f32 $-Inf;
	v11 =	vld [tilespmem:s16+$0xFFFFFF80]  }
0xfa: {  	v8 =	vmax.f32 v14, v5;
	v5 =	vmin.f32 v14, v5  }
0xfb: {  	v15 =	vmax.f32 v8, v6;
	v7 =	vmax.f32 v14, v5;
	v5 =	vmin.f32 v14, v5  }
0xfc: {  	v9 =	vmin.f32 v8, v6;
	v6 =	vmax.f32 v14, v5;
	v5 =	vmin.f32 v14, v5  }
0xfd: {  	v12 =	vmax.f32 v14, v5;
	v16 =	vmin.f32 v14, v5;
	v5 =	vld [tilespmem:s16+$0x0]  }
0xfe: {  	v8 =	vmin.f32 v7, v9;
	v10 =	vmax.f32 v15, v11  }
0xff: {  	s15 =	simm.s32 $0x2;
	s14 =	sor.u32 $0x60, s13;
	v11 =	vmin.f32 v15, v11;
	v13 =	vmin.f32 v6, v8;
	s16 =	simm.s32 $0x2E0;
	v14 =	vmax.f32 v14, v16  }
.LBB2_15:
0x100: {  	s15 =	sadd.s32 $0x2, s15  }
0x101: {  	v15 =	vld [tilespmem:s16+$0xFFFFFF80];
	v9 =	vmax.f32 v7, v9;
	v16 =	vmax.f32 v12, v13;
	v7 =	vmin.f32 v12, v13;
	p1 =	slt.u32 s15, $0x3E6  }
.Ltmp6:
0x102: {  	v8 =	vmax.f32 v6, v8;
	v17 =	vmax.f32 v10, v5;
	v14 =	vmax.f32 v14, v7;
	(pc) =	sbr.rel @p1 .LBB2_15-.Ltmp6, $4  }
0x103: {  	v7 =	vmax.f32 v9, v11;
	v11 =	vmin.f32 v9, v11;
	v9 =	vmin.f32 v10, v5;
	v5 =	vld [tilespmem:s16+$0x0]  }
0x104: {  	v6 =	vmax.f32 v8, v11;
	v10 =	vmin.f32 v8, v11;
	v8 =	vmin.f32 v7, v9  }
0x105: {  	v12 =	vmax.f32 v16, v10;
	v16 =	vmin.f32 v16, v10;
	v13 =	vmin.f32 v6, v8  }
0x106: {  	s16 =	sadd.s32 $0x100, s16;
	v14 =	vmax.f32 v14, v16;
	v10 =	vmax.f32 v17, v15;
	v11 =	vmin.f32 v17, v15  }
0x107: {  	v7 =	vmax.f32 v7, v9;
	v9 =	vmax.f32 v12, v13  }
0x108: {  	v12 =	vmin.f32 v12, v13;
	v6 =	vmax.f32 v6, v8;
	v4 =	vadd.f32 $1.000000000e+00, v4  }
0x109: {  	v8 =	vmax.f32 v14, v12;
	v12 =	vmax.f32 v7, v11;
	v7 =	vmin.f32 v7, v11  }
0x10a: {  	v13 =	vmax.f32 v10, v5;
	v5 =	vmin.f32 v10, v5;
	v10 =	vmax.f32 v6, v7  }
0x10b: {  	v6 =	vmin.f32 v6, v7;
	v7 =	vmin.f32 v12, v5;
	v5 =	vmax.f32 v12, v5  }
0x10c: {  	v12 =	vsub.f32 v4, v13;
	v11 =	vmax.f32 v9, v6;
	v5 =	vsub.f32 v4, v5  }
0x10d: {  	v6 =	vmin.f32 v9, v6;
	v9 =	vmin.f32 v10, v7;
	v7 =	vmax.f32 v10, v7  }
0x10e: {  	v10 =	vmax.f32 v12, $0.0e+00;
	v7 =	vsub.f32 v4, v7;
	v5 =	vmax.f32 v5, $0.0e+00  }
0x10f: {  	v6 =	vmax.f32 v8, v6;
	v8 =	vmax.f32 v11, v9;
	v5 =	vadd.f32 v5, v10  }
0x110: {  	v9 =	vmin.f32 v11, v9;
	v8 =	vsub.f32 v4, v8;
	v7 =	vmax.f32 v7, $0.0e+00  }
0x111: {  	v6 =	vmax.f32 v6, v9;
	v5 =	vadd.f32 v7, v5  }
0x112: {  	v4 =	vsub.f32 v4, v6;
	v7 =	vmax.f32 v8, $0.0e+00  }
0x113: {  	v5 =	vadd.f32 v7, v5  }
0x114: {  	v4 =	vmax.f32 v4, $0.0e+00  }
0x115: {  	v4 =	vadd.f32 v4, v5;
	_ =	sdelay $0x1  }
0x116: {  	[tilespmem:s14+$0x1F500] =	vst v4  }
0x117: {  	v4 =	vld [tilespmem:s13+$0x1F470];
	_ =	sdelay $0x4  }
0x118: {  	v5 =	vor.u32 $0x70, v0;
	v4 =	vshll.u32 v4, $0x7  }
0x119: {  	v5 =	vor.u32 v5, v4;
	_ =	sdelay $0x4  }
0x11a: {  	s31 =	simm.s32 $0xF0;
	v4 =	vld.idx.msk [tilespmem:v5+s2+$0x0], $0xffff;
	[tilespmem:v5+s2+$0x0] =	vst.idx.msk $0xffff, v1  }
0x11b: {  	v5 =	vld [tilespmem:s31+$0xFFFFFF80]  }
0x11c: {  	v6 =	vld [tilespmem:s31+$0x0];
	_ =	sdelay $0x1  }
0x11d: {  	s15 =	simm.s32 $0x1F0  }
0x11e: {  	v14 =	vimm.f32 $-Inf;
	v11 =	vld [tilespmem:s15+$0xFFFFFF80]  }
0x11f: {  	v8 =	vmax.f32 v14, v5;
	v5 =	vmin.f32 v14, v5  }
0x120: {  	v15 =	vmax.f32 v8, v6;
	v7 =	vmax.f32 v14, v5;
	v5 =	vmin.f32 v14, v5  }
0x121: {  	v9 =	vmin.f32 v8, v6;
	v6 =	vmax.f32 v14, v5;
	v5 =	vmin.f32 v14, v5  }
0x122: {  	v12 =	vmax.f32 v14, v5;
	v16 =	vmin.f32 v14, v5;
	v5 =	vld [tilespmem:s15+$0x0]  }
0x123: {  	v8 =	vmin.f32 v7, v9;
	v10 =	vmax.f32 v15, v11  }
0x124: {  	s14 =	simm.s32 $0x2;
	s13 =	sor.u32 $0x70, s13;
	v11 =	vmin.f32 v15, v11;
	v13 =	vmin.f32 v6, v8;
	s15 =	simm.s32 $0x2F0;
	v14 =	vmax.f32 v14, v16  }
.LBB2_17:
0x125: {  	s14 =	sadd.s32 $0x2, s14  }
0x126: {  	v15 =	vld [tilespmem:s15+$0xFFFFFF80];
	v9 =	vmax.f32 v7, v9;
	v16 =	vmax.f32 v12, v13;
	v7 =	vmin.f32 v12, v13;
	p1 =	slt.u32 s14, $0x3E6  }
.Ltmp7:
0x127: {  	v8 =	vmax.f32 v6, v8;
	v17 =	vmax.f32 v10, v5;
	v14 =	vmax.f32 v14, v7;
	(pc) =	sbr.rel @p1 .LBB2_17-.Ltmp7, $4  }
0x128: {  	v7 =	vmax.f32 v9, v11;
	v11 =	vmin.f32 v9, v11;
	v9 =	vmin.f32 v10, v5;
	v5 =	vld [tilespmem:s15+$0x0]  }
0x129: {  	v6 =	vmax.f32 v8, v11;
	v10 =	vmin.f32 v8, v11;
	v8 =	vmin.f32 v7, v9  }
0x12a: {  	v12 =	vmax.f32 v16, v10;
	v16 =	vmin.f32 v16, v10;
	v13 =	vmin.f32 v6, v8  }
0x12b: {  	s15 =	sadd.s32 $0x100, s15;
	v14 =	vmax.f32 v14, v16;
	v10 =	vmax.f32 v17, v15;
	v11 =	vmin.f32 v17, v15  }
0x12c: {  	v7 =	vmax.f32 v7, v9;
	v51 =	vmax.f32 v12, v13  }
0x12d: {  	v52 =	vmin.f32 v12, v13;
	v6 =	vmax.f32 v6, v8;
	v4 =	vadd.f32 $1.000000000e+00, v4  }
0x12e: {  	v53 =	vmax.f32 v10, v5;
	v55 =	vmax.f32 v7, v11;
	v7 =	vmin.f32 v7, v11  }
0x12f: {  	v54 =	vmax.f32 v14, v52;
	v5 =	vmin.f32 v10, v5;
	v56 =	vmax.f32 v6, v7  }
0x130: {  	v6 =	vmin.f32 v6, v7;
	v57 =	vmin.f32 v55, v5;
	v5 =	vmax.f32 v55, v5  }
0x131: {  	v59 =	vsub.f32 v4, v53;
	v58 =	vmax.f32 v51, v6;
	v5 =	vsub.f32 v4, v5  }
0x132: {  	v6 =	vmin.f32 v51, v6;
	v60 =	vmin.f32 v56, v57;
	v7 =	vmax.f32 v56, v57  }
0x133: {  	v61 =	vmax.f32 v59, $0.0e+00;
	v7 =	vsub.f32 v4, v7;
	v5 =	vmax.f32 v5, $0.0e+00  }
0x134: {  	v6 =	vmax.f32 v54, v6;
	v62 =	vmax.f32 v58, v60;
	v5 =	vadd.f32 v5, v61  }
0x135: {  	v9 =	vmin.f32 v58, v60;
	v8 =	vsub.f32 v4, v62;
	v7 =	vmax.f32 v7, $0.0e+00  }
0x136: {  	v6 =	vmax.f32 v6, v9;
	v5 =	vadd.f32 v7, v5  }
0x137: {  	v4 =	vsub.f32 v4, v6;
	v63 =	vmax.f32 v8, $0.0e+00  }
.Ltmp8:
0x138: {  	v5 =	vadd.f32 v63, v5;
	(pc) =	sbr.rel @p0 .LBB2_2-.Ltmp8, $3  }
0x139: {  	v4 =	vmax.f32 v4, $0.0e+00  }
0x13a: {  	v4 =	vadd.f32 v4, v5;
	_ =	sdelay $0x1  }
0x13b: {  	p1 =	por $0x0, $0x0;
	[tilespmem:s13+$0x1F500] =	vst v4;
	s13 =	simm.s32 $0x80  }
0x13c: {  	s12 =	sadd.s32 $0x1, s12  }
0x13d: {  	p0 =	sne.s32 s12, s6  }
.Ltmp9:
0x13e: {  	_ = 	snop;
	(pc) =	sbr.rel @p0 .LBB2_1-.Ltmp9, $4  }
0x13f: {  	[hbm4b:s5+s2] =	stream.linear.scatter [tilespmem:s11], [sflag:$0x1], $0x100, $0x38;
	[tilespmem:$0x1F600] =	vst v63  }
0x140: {  	_ =	swait.ge [sflag:s8], $0x100  }
0x141: {  	[sflag:s8] =	ssyncset.done $0x0  }
0x142: {  	[sflag:s8] =	ssyncadd.s32 $0xFFFFFF00  }
0x143: {  	_ =	sfence.sel $0x180000  }
0x144: {  	[bflag:$0x0] =	sbarrier.arrive $0xFFFF  }
0x145: {  	p0 =	sne.s32 s1, $0x0;
	_ =	strace $0x90000047  }
0x146: {  	s0 =	sadd.s32 @!p0 $0x100000, s0;
	[bflag:$0x2] =	sbarrier.arrive $0xFFFF  }
0x147: {  	[sflag:s0] =	ssyncadd.tile.s32 @!p0 $0x1;
	_ =	shalt  }
.Lfunc_end2:
_tile_overlayer_lowered:
.L_overlay_start_2:
0x148: {  	(tag) =	ssettag $0x2  }
0x149: {  	s0 =	rddreg [dreg:$0x0];
	s2 =	stileid.u32  }
0x14a: {  	s1 =	rddreg [dreg:$0x1];
	p0 =	sne.s32 s2, $0x0  }
0x14b: {  	s3 =	rddreg [dreg:$0x2];
	[bflag:$0x3] =	sbarrier.arrive $0xFFFF;
	s2 =	simm.s32 @!p0 $0x1C01  }
0x14c: {  	[timem:s3], [sflag:s2] =	dma.local @!p0 [hbm:s0], s1  }
0x14d: {  	s0 =	simm.s32 @!p0 $0x1  }
0x14e: {  	_ =	swait.ge @!p0 [sflag:s0], s1  }
0x14f: {  	s1 =	ssub.s32 @!p0 $0x0, s1;
	[sflag:s0] =	ssyncset.done @!p0 $0x0  }
0x150: {  	[sflag:s0] =	ssyncadd.s32 @!p0 s1  }
0x151: {  	[bflag:$0x3] =	sbarrier.arrive $0xFFFF  }
0x152: {  	_ =	shalt  }

</sc_bundles>
